<compile_context>
chip_gen: v7x
topology: tpu7x:2x2x1
jax: 0.10.2.dev20260603
libtpu: 0.0.44.dev20260713+nightly
codegen_flags: <defaults>
</compile_context>

<pallas_src>
import functools

import jax
import jax.numpy as jnp
from jax import lax
from jax.experimental import pallas as pl
from jax.experimental.pallas import tpu as pltpu
from jax.experimental.pallas import tpu_sc as plsc

_B, _V, _N, _FIN = 1, 4, 10000, 128
_E = 160000
_H, _FO = 4, 16
_D = _H * _FO
_BV = _B * _V
_ROW = _BV * _D
_HALF = _ROW // 2
_PPAD = 8
_NEG = 0.2

_NC, _NS = 2, 16

_BLK = 2000


def _pre_body(x_ref, w_ref, att_ref, p_ref, ppad_ref, hp_ref):
    att_s = att_ref[0, :, :_FO]
    av = jnp.tile(att_s.reshape(1, _D), (1, _BV)).reshape(_ROW, 1)
    hrow = (lax.broadcasted_iota(jnp.int32, (_ROW, _H), 0) // _FO) % _H
    hcol = lax.broadcasted_iota(jnp.int32, (_ROW, _H), 1)
    Bsel = jnp.where(hrow == hcol, 1.0, 0.0)
    As = av * Bsel / _BV

    x = x_ref[0]
    h = lax.dot_general(x, w_ref[...], (((2,), (0,)), ((), ())),
                        preferred_element_type=jnp.float32)
    ht = jnp.transpose(h, (1, 0, 2)).reshape(_BLK, _ROW)
    lr = jnp.where(ht > 0, ht, _NEG * ht)
    s = jnp.dot(lr, As, preferred_element_type=jnp.float32)
    p = jnp.exp(s)
    p_ref[...] = p
    ppad_ref[...] = jnp.concatenate(
        [p, jnp.zeros((_BLK, _PPAD - _H), jnp.float32)], axis=1)
    scale = jnp.dot(p, Bsel.T, preferred_element_type=jnp.float32)
    hp = ht * scale
    hp_ref[...] = jnp.stack([hp[:, :_HALF], hp[:, _HALF:]], axis=0)


def _run_pre(x, W, att):
    grid = _N // _BLK
    return pl.pallas_call(
        _pre_body,
        grid=(grid,),
        in_specs=[
            pl.BlockSpec((1, _BV, _BLK, _FIN), lambda i: (0, 0, i, 0)),
            pl.BlockSpec((_FIN, _D), lambda i: (0, 0)),
            pl.BlockSpec((1, _H, 2 * _FO), lambda i: (0, 0, 0)),
        ],
        out_specs=[
            pl.BlockSpec((_BLK, _H), lambda i: (i, 0)),
            pl.BlockSpec((_BLK, _PPAD), lambda i: (i, 0)),
            pl.BlockSpec((_NC, _BLK, _HALF), lambda i: (0, i, 0)),
        ],
        out_shape=[
            jax.ShapeDtypeStruct((_N, _H), jnp.float32),
            jax.ShapeDtypeStruct((_N, _PPAD), jnp.float32),
            jax.ShapeDtypeStruct((_NC, _N, _HALF), jnp.float32),
        ],
    )(x, W, att)


_KB2 = 80
_NBB = _E // (_NS * _KB2)


def _run_edges(src2, dst2, ppad, hp3):
    mesh = plsc.VectorSubcoreMesh(core_axis_name="c", subcore_axis_name="s")
    orows = 1000

    @functools.partial(
        pl.kernel,
        out_type=(
            jax.ShapeDtypeStruct((_NC, _N, _PPAD), jnp.float32),
            jax.ShapeDtypeStruct((_NC, _N, _HALF), jnp.float32),
        ),
        mesh=mesh,
        compiler_params=pltpu.CompilerParams(use_tc_tiling_on_sc=False),
        scratch_types=[
            pltpu.VMEM((_NBB, _KB2), jnp.int32),
            pltpu.VMEM((_NBB, _KB2), jnp.int32),
            pltpu.VMEM((_KB2, _HALF), jnp.float32),
            pltpu.VMEM((_KB2, _HALF), jnp.float32),
            pltpu.VMEM((_KB2, _PPAD), jnp.float32),
            pltpu.VMEM((_KB2, _PPAD), jnp.float32),
            pltpu.VMEM_SHARED((_N, _PPAD), jnp.float32),
            pltpu.VMEM_SHARED((_N, _HALF), jnp.float32),
            pltpu.SemaphoreType.DMA,
            pltpu.SemaphoreType.DMA,
            pltpu.SemaphoreType.DMA,
            pltpu.SemaphoreType.DMA,
        ],
    )
    def k(src_hbm, dst_hbm, ppad_hbm, hp_hbm, den_out, acc_out, sidx, didx,
          rows0, rows1, prow0, prow1, den_sp, acc_sp, sem0, sem1, psem0,
          psem1):
        cid = lax.axis_index("c")
        sid = lax.axis_index("s")
        rows = (rows0, rows1)
        sems = (sem0, sem1)
        prows = (prow0, prow1)
        psems = (psem0, psem1)
        hp_c = hp_hbm.at[cid]

        pltpu.sync_copy(src_hbm.at[pl.ds(sid * _NBB, _NBB)], sidx)
        pltpu.sync_copy(dst_hbm.at[pl.ds(sid * _NBB, _NBB)], didx)

        def zb(i, c):
            for l in range(_HALF // 16):
                rows0[i, 16 * l:16 * (l + 1)] = jnp.zeros((16,), jnp.float32)
            prow0[i, :] = jnp.zeros((_PPAD,), jnp.float32)
            return c
        lax.fori_loop(0, _KB2, zb, 0)
        for j in range(8):
            chunk = sid * 8 + j

            @pl.when(chunk < _N // _KB2)
            def _():
                pltpu.sync_copy(rows0, acc_sp.at[pl.ds(chunk * _KB2, _KB2)])
                pltpu.sync_copy(prow0, den_sp.at[pl.ds(chunk * _KB2, _KB2)])
        plsc.subcore_barrier()

        pltpu.async_copy(hp_c.at[sidx.at[0]], rows0, sem0)
        pltpu.async_copy(hp_c.at[sidx.at[1]], rows1, sem1)
        pltpu.async_copy(ppad_hbm.at[sidx.at[cid]], prow0, psem0)

        @pl.when(cid + 2 < _NBB)
        def _():
            pltpu.async_copy(ppad_hbm.at[sidx.at[cid + 2]], prow1, psem1)

        def quad(u, c):
            for b2 in range(4):
                j = u * 4 + b2
                rb = rows[b2 % 2]
                sb = sems[b2 % 2]

                @pl.when(j < _NBB)
                def _():
                    pltpu.make_async_copy(
                        hp_c.at[sidx.at[j]], rb, sb).wait()
                    pltpu.sync_copy(rb, acc_sp.at[didx.at[j]], add=True)

                    @pl.when(j + 2 < _NBB)
                    def _():
                        pltpu.async_copy(hp_c.at[sidx.at[j + 2]], rb, sb)

                if b2 < 2:
                    pb = prows[b2]
                    ps = psems[b2]
                    jd = u * 4 + 2 * b2 + cid

                    @pl.when(jd < _NBB)
                    def _():
                        pltpu.make_async_copy(
                            ppad_hbm.at[sidx.at[jd]], pb, ps).wait()
                        pltpu.sync_copy(pb, den_sp.at[didx.at[jd]], add=True)

                        @pl.when(jd + 4 < _NBB)
                        def _():
                            pltpu.async_copy(
                                ppad_hbm.at[sidx.at[jd + 4]], pb, ps)
            return c
        lax.fori_loop(0, (_NBB + 3) // 4, quad, 0)
        plsc.subcore_barrier()

        @pl.when(sid < _N // orows)
        def _():
            pltpu.sync_copy(acc_sp.at[pl.ds(sid * orows, orows)],
                            acc_out.at[cid, pl.ds(sid * orows, orows)])
            pltpu.sync_copy(den_sp.at[pl.ds(sid * orows, orows)],
                            den_out.at[cid, pl.ds(sid * orows, orows)])

    return k(src2, dst2, ppad, hp3)


def _final_body(acc_ref, den_ref, p_ref, hp0_ref, hp1_ref, w1_ref, b1_ref,
                w2_ref, b2_ref, bias_ref, o_ref):
    acc0 = acc_ref[0] + hp0_ref[0]
    acc1 = acc_ref[1] + hp1_ref[0]
    aggc = jnp.concatenate([acc0, acc1], axis=1)
    den = den_ref[0, :, :_H] + den_ref[1, :, :_H] + p_ref[...]
    hcol = (lax.broadcasted_iota(jnp.int32, (_H, _ROW), 1) // _FO) % _H
    hrow = lax.broadcasted_iota(jnp.int32, (_H, _ROW), 0)
    bmat = jnp.where(hrow == hcol, 1.0, 0.0)
    scale = jnp.dot(1.0 / den, bmat,
                    preferred_element_type=jnp.float32)
    hv = (aggc * scale).reshape(_BLK, _BV, _D)
    hv = jnp.transpose(hv, (1, 0, 2))
    t = lax.dot_general(hv, w1_ref[...], (((2,), (0,)), ((), ())),
                        preferred_element_type=jnp.float32) + b1_ref[...]
    t = jnp.maximum(t, 0.0)
    y = lax.dot_general(t, w2_ref[...], (((2,), (0,)), ((), ())),
                        preferred_element_type=jnp.float32)
    o_ref[...] = (y + b2_ref[...] + bias_ref[...])[None]


def _run_final(acc, den, p, hp, w1, b1, w2, b2, bias):
    grid = _N // _BLK
    return pl.pallas_call(
        _final_body,
        grid=(grid,),
        in_specs=[
            pl.BlockSpec((_NC, _BLK, _HALF), lambda i: (0, i, 0)),
            pl.BlockSpec((_NC, _BLK, _PPAD), lambda i: (0, i, 0)),
            pl.BlockSpec((_BLK, _H), lambda i: (i, 0)),
            pl.BlockSpec((1, _BLK, _HALF), lambda i: (0, i, 0)),
            pl.BlockSpec((1, _BLK, _HALF), lambda i: (1, i, 0)),
            pl.BlockSpec((_D, 2 * _D), lambda i: (0, 0)),
            pl.BlockSpec((2 * _D,), lambda i: (0,)),
            pl.BlockSpec((2 * _D, _D), lambda i: (0, 0)),
            pl.BlockSpec((_D,), lambda i: (0,)),
            pl.BlockSpec((_D,), lambda i: (0,)),
        ],
        out_specs=pl.BlockSpec((1, _BV, _BLK, _D), lambda i: (0, 0, i, 0)),
        out_shape=jax.ShapeDtypeStruct((_B, _BV, _N, _D), jnp.float32),
    )(acc, den, p, hp, hp, w1, b1, w2, b2, bias)


def kernel(x, edge_index, W, att, mlp_w1, mlp_b1, mlp_w2, mlp_b2, bias):
    p, ppad, hp = _run_pre(x, W, att)
    src_e, dst_e = edge_index[0], edge_index[1]
    den, acc = _run_edges(src_e.reshape(-1, _KB2), dst_e.reshape(-1, _KB2),
                          ppad, hp)
    return _run_final(acc, den, p, hp, mlp_w1, mlp_b1, mlp_w2,
                      mlp_b2, bias)

# --- scband reference (transcript-rebuilt; emitter-appended) ---
"""Pipeline reference for scband-gatv2-layer4-view-86208583566034 (READ-ONLY COPY).

The authoritative reference and input builder live on the scoring server;
editing this copy changes nothing except your own understanding.
"""

import jax, jax.numpy as jnp
import numpy as np

B, V, N, FIN = 1, 4, 10000, 128
E = 160000
H, FO = 4, 16
D = H * FO
NEG = 0.2


def setup_inputs(seed: int = 0):
    key = jax.random.key(seed)
    ks = jax.random.split(key, 8)
    x = jax.random.normal(ks[0], (B, V, N, FIN), dtype=jnp.float32)
    edge_index = jax.random.randint(ks[1], (2, E), 0, N, dtype=jnp.int32)
    W = jax.random.normal(ks[2], (FIN, H * FO), dtype=jnp.float32) * 0.05
    att = jax.random.normal(ks[3], (1, H, 2 * FO), dtype=jnp.float32) * 0.1
    mlp_w1 = jax.random.normal(ks[4], (D, 2 * D), dtype=jnp.float32) * 0.05
    mlp_b1 = jnp.zeros((2 * D,), jnp.float32)
    mlp_w2 = jax.random.normal(ks[5], (2 * D, D), dtype=jnp.float32) * 0.05
    mlp_b2 = jnp.zeros((D,), jnp.float32)
    bias = jnp.zeros((D,), jnp.float32)
    return {"x": x, "edge_index": edge_index, "W": W, "att": att,
            "mlp_w1": mlp_w1, "mlp_b1": mlp_b1, "mlp_w2": mlp_w2,
            "mlp_b2": mlp_b2, "bias": bias}


def _forward(x, edge_index, W, att, mlp_w1, mlp_b1, mlp_w2, mlp_b2, bias):
    b, v, n, fin = x.shape
    x_flat = x.reshape(b * v, n, fin)
    # intra-view GAT: shared linear projection
    h = (x_flat @ W).reshape(b * v, n, H, FO)
    # add self-loops
    loops = jnp.arange(n, dtype=edge_index.dtype)
    ei = jnp.concatenate([edge_index, jnp.stack([loops, loops], axis=0)], axis=1)
    src, dst = ei[0], ei[1]
    # attention scores (GATv2-style: leaky_relu then att dot), averaged over B*V
    h_src = h[:, src]                      # [BV, Ep, H, FO] gather
    h_dst = h[:, dst]                      # [BV, Ep, H, FO] gather
    h_cat = jnp.concatenate([h_src, h_dst], axis=-1)
    att_in = jax.nn.leaky_relu(h_cat, NEG)
    scores = (att * att_in).sum(-1).mean(0)   # [Ep, H]
    # segment softmax over destination nodes (every node has a self-loop)
    m = jax.ops.segment_max(scores, dst, num_segments=n)
    exp_s = jnp.exp(scores - m[dst])
    denom = jax.ops.segment_sum(exp_s, dst, num_segments=n)
    alpha = exp_s / denom[dst]             # [Ep, H]
    # weighted scatter-add aggregation
    contrib = alpha[None, :, :, None] * h_src          # [BV, Ep, H, FO]
    contrib_t = jnp.transpose(contrib, (1, 0, 2, 3))   # [Ep, BV, H, FO]
    agg = jax.ops.segment_sum(contrib_t, dst, num_segments=n)  # [N, BV, H, FO]
    out = jnp.transpose(agg, (1, 0, 2, 3)).reshape(b * v, n, H * FO)  # concat heads
    hview = out.reshape(b, v, n, D)
    # inter-view mixing (mlp)
    hm = hview.reshape(b * v * n, D)
    hm = jax.nn.relu(hm @ mlp_w1 + mlp_b1) @ mlp_w2 + mlp_b2
    h_mixed = hm.reshape(b, v, n, D)
    return h_mixed + bias


def reference(x, edge_index, W, att, mlp_w1, mlp_b1, mlp_w2, mlp_b2, bias):
    return _forward(x, edge_index, W, att, mlp_w1, mlp_b1, mlp_w2, mlp_b2, bias)

if __name__ == "__main__":
    import jax
    _d = setup_inputs()
    print(jax.jit(kernel)(*tuple(_d.values())))

</pallas_src>

<mosaic_0001>
#map = affine_map<(d0, d1) -> (0, 0)>
#map1 = affine_map<(d0, d1) -> (0, 0, 0)>
module attributes {stable_mosaic.version = 14 : i64} {
  func.func @k(%arg0: i32, %arg1: i32, %arg2: memref<2000x80xi32, #tpu.memory_space<hbm>>, %arg3: memref<2000x80xi32, #tpu.memory_space<hbm>>, %arg4: memref<10000x8xf32, #tpu.memory_space<hbm>>, %arg5: memref<2x10000x128xf32, #tpu.memory_space<hbm>>, %arg6: memref<2x10000x8xf32, #tpu.memory_space<hbm>>, %arg7: memref<2x10000x128xf32, #tpu.memory_space<hbm>>, %arg8: memref<125x80xi32, #tpu.memory_space<vmem>>, %arg9: memref<125x80xi32, #tpu.memory_space<vmem>>, %arg10: memref<80x128xf32, #tpu.memory_space<vmem>>, %arg11: memref<80x128xf32, #tpu.memory_space<vmem>>, %arg12: memref<80x8xf32, #tpu.memory_space<vmem>>, %arg13: memref<80x8xf32, #tpu.memory_space<vmem>>, %arg14: memref<10000x8xf32, #tpu.memory_space<vmem_shared>>, %arg15: memref<10000x128xf32, #tpu.memory_space<vmem_shared>>, %arg16: memref<!tpu.dma_semaphore, #tpu.memory_space<semaphore_mem>>, %arg17: memref<!tpu.dma_semaphore, #tpu.memory_space<semaphore_mem>>, %arg18: memref<!tpu.dma_semaphore, #tpu.memory_space<semaphore_mem>>, %arg19: memref<!tpu.dma_semaphore, #tpu.memory_space<semaphore_mem>>) attributes {dimension_semantics = [#tpu.dimension_semantics<core_parallel>, #tpu.dimension_semantics<subcore_parallel>], iteration_bounds = array<i64: 2, 16>, scalar_prefetch = 0 : i64, scratch_operands = 12 : i64, tpu.core_type = #tpu.core_type<sc_vector_subcore>, window_params = [{transform_indices = #map}, {transform_indices = #map}, {transform_indices = #map}, {transform_indices = #map1}, {transform_indices = #map1}, {transform_indices = #map1}]} {
    %mul3A = arith.constant 125 : i32
    %mul3A_0 = arith.muli %arg1, %mul3A : i32
    "tpu.region"() ({
      %run_scoped3A = tpu.sem_alloc : memref<!tpu.dma_semaphore, #tpu.memory_space<semaphore_mem>>
      %dma_start3A_122 = arith.constant 0 : i32
      %dma_start3A_123 = tpu.memref_slice %arg2[%mul3A_0, %dma_start3A_122] : memref<2000x80xi32, #tpu.memory_space<hbm>> -> memref<125x80xi32, #tpu.memory_space<hbm>>
      %dma_start3A_124 = arith.constant 0 : i32
      %dma_start3A_125 = tpu.memref_slice %arg2[%mul3A_0, %dma_start3A_124] : memref<2000x80xi32, #tpu.memory_space<hbm>> -> memref<125x80xi32, #tpu.memory_space<hbm>>
      tpu.enqueue_dma source(%dma_start3A_125 : memref<125x80xi32, #tpu.memory_space<hbm>>) target(%arg8 : memref<125x80xi32, #tpu.memory_space<vmem>>) target_semaphore(%run_scoped3A : memref<!tpu.dma_semaphore, #tpu.memory_space<semaphore_mem>>)
      %dma_wait3A = arith.constant 0 : i32
      %dma_wait3A_126 = tpu.memref_slice %arg2[%mul3A_0, %dma_wait3A] : memref<2000x80xi32, #tpu.memory_space<hbm>> -> memref<125x80xi32, #tpu.memory_space<hbm>>
      %dma_wait3A_127 = arith.constant 0 : i32
      %dma_wait3A_128 = tpu.memref_slice %arg2[%mul3A_0, %dma_wait3A_127] : memref<2000x80xi32, #tpu.memory_space<hbm>> -> memref<125x80xi32, #tpu.memory_space<hbm>>
      tpu.wait_dma2 semaphore(%run_scoped3A : memref<!tpu.dma_semaphore, #tpu.memory_space<semaphore_mem>>) src(%dma_wait3A_128 : memref<125x80xi32, #tpu.memory_space<hbm>>) dst(%arg8 : memref<125x80xi32, #tpu.memory_space<vmem>>)
      tpu.yield
    }) : () -> ()
    %mul3A_1 = arith.constant 125 : i32
    %mul3A_2 = arith.muli %arg1, %mul3A_1 : i32
    "tpu.region"() ({
      %run_scoped3A = tpu.sem_alloc : memref<!tpu.dma_semaphore, #tpu.memory_space<semaphore_mem>>
      %dma_start3A_122 = arith.constant 0 : i32
      %dma_start3A_123 = tpu.memref_slice %arg3[%mul3A_2, %dma_start3A_122] : memref<2000x80xi32, #tpu.memory_space<hbm>> -> memref<125x80xi32, #tpu.memory_space<hbm>>
      %dma_start3A_124 = arith.constant 0 : i32
      %dma_start3A_125 = tpu.memref_slice %arg3[%mul3A_2, %dma_start3A_124] : memref<2000x80xi32, #tpu.memory_space<hbm>> -> memref<125x80xi32, #tpu.memory_space<hbm>>
      tpu.enqueue_dma source(%dma_start3A_125 : memref<125x80xi32, #tpu.memory_space<hbm>>) target(%arg9 : memref<125x80xi32, #tpu.memory_space<vmem>>) target_semaphore(%run_scoped3A : memref<!tpu.dma_semaphore, #tpu.memory_space<semaphore_mem>>)
      %dma_wait3A = arith.constant 0 : i32
      %dma_wait3A_126 = tpu.memref_slice %arg3[%mul3A_2, %dma_wait3A] : memref<2000x80xi32, #tpu.memory_space<hbm>> -> memref<125x80xi32, #tpu.memory_space<hbm>>
      %dma_wait3A_127 = arith.constant 0 : i32
      %dma_wait3A_128 = tpu.memref_slice %arg3[%mul3A_2, %dma_wait3A_127] : memref<2000x80xi32, #tpu.memory_space<hbm>> -> memref<125x80xi32, #tpu.memory_space<hbm>>
      tpu.wait_dma2 semaphore(%run_scoped3A : memref<!tpu.dma_semaphore, #tpu.memory_space<semaphore_mem>>) src(%dma_wait3A_128 : memref<125x80xi32, #tpu.memory_space<hbm>>) dst(%arg9 : memref<125x80xi32, #tpu.memory_space<vmem>>)
      tpu.yield
    }) : () -> ()
    %scan3A = arith.constant 0 : i32
    %scan3A_3 = arith.constant 0 : i32
    %scan3A_4 = arith.constant 80 : i32
    %scan3A_5 = arith.addi %scan3A_3, %scan3A_4 : i32
    %scan3A_6 = arith.constant 1 : i32
    scf.for %scan3A_122 = %scan3A_3 to %scan3A_5 step %scan3A_6  : i32 {
      %broadcast_in_dim3A = arith.constant 0.000000e+00 : f32
      %broadcast_in_dim3A_123 = vector.broadcast %broadcast_in_dim3A : f32 to vector<16xf32>
      %swap3A = arith.index_cast %scan3A_122 : i32 to index
      %swap3A_124 = arith.constant 0 : index
      %swap3A_125 = tpu.vector_load %arg10[%swap3A, %swap3A_124] {strides = array<i32>} : memref<80x128xf32, #tpu.memory_space<vmem>>, vector<1x16xf32>,
      %swap3A_126 = vector.shape_cast %swap3A_125 : vector<1x16xf32> to vector<16xf32>
      %swap3A_127 = vector.shape_cast %broadcast_in_dim3A_123 : vector<16xf32> to vector<1x16xf32>
      tpu.vector_store %arg10[%swap3A, %swap3A_124], %swap3A_127 {strides = array<i32>} : memref<80x128xf32, #tpu.memory_space<vmem>>, vector<1x16xf32>,
      %broadcast_in_dim3A_128 = arith.constant 0.000000e+00 : f32
      %broadcast_in_dim3A_129 = vector.broadcast %broadcast_in_dim3A_128 : f32 to vector<16xf32>
      %swap3A_130 = arith.index_cast %scan3A_122 : i32 to index
      %swap3A_131 = arith.constant 16 : index
      %swap3A_132 = tpu.vector_load %arg10[%swap3A_130, %swap3A_131] {strides = array<i32>} : memref<80x128xf32, #tpu.memory_space<vmem>>, vector<1x16xf32>,
      %swap3A_133 = vector.shape_cast %swap3A_132 : vector<1x16xf32> to vector<16xf32>
      %swap3A_134 = vector.shape_cast %broadcast_in_dim3A_129 : vector<16xf32> to vector<1x16xf32>
      tpu.vector_store %arg10[%swap3A_130, %swap3A_131], %swap3A_134 {strides = array<i32>} : memref<80x128xf32, #tpu.memory_space<vmem>>, vector<1x16xf32>,
      %broadcast_in_dim3A_135 = arith.constant 0.000000e+00 : f32
      %broadcast_in_dim3A_136 = vector.broadcast %broadcast_in_dim3A_135 : f32 to vector<16xf32>
      %swap3A_137 = arith.index_cast %scan3A_122 : i32 to index
      %swap3A_138 = arith.constant 32 : index
      %swap3A_139 = tpu.vector_load %arg10[%swap3A_137, %swap3A_138] {strides = array<i32>} : memref<80x128xf32, #tpu.memory_space<vmem>>, vector<1x16xf32>,
      %swap3A_140 = vector.shape_cast %swap3A_139 : vector<1x16xf32> to vector<16xf32>
      %swap3A_141 = vector.shape_cast %broadcast_in_dim3A_136 : vector<16xf32> to vector<1x16xf32>
      tpu.vector_store %arg10[%swap3A_137, %swap3A_138], %swap3A_141 {strides = array<i32>} : memref<80x128xf32, #tpu.memory_space<vmem>>, vector<1x16xf32>,
      %broadcast_in_dim3A_142 = arith.constant 0.000000e+00 : f32
      %broadcast_in_dim3A_143 = vector.broadcast %broadcast_in_dim3A_142 : f32 to vector<16xf32>
      %swap3A_144 = arith.index_cast %scan3A_122 : i32 to index
      %swap3A_145 = arith.constant 48 : index
      %swap3A_146 = tpu.vector_load %arg10[%swap3A_144, %swap3A_145] {strides = array<i32>} : memref<80x128xf32, #tpu.memory_space<vmem>>, vector<1x16xf32>,
      %swap3A_147 = vector.shape_cast %swap3A_146 : vector<1x16xf32> to vector<16xf32>
      %swap3A_148 = vector.shape_cast %broadcast_in_dim3A_143 : vector<16xf32> to vector<1x16xf32>
      tpu.vector_store %arg10[%swap3A_144, %swap3A_145], %swap3A_148 {strides = array<i32>} : memref<80x128xf32, #tpu.memory_space<vmem>>, vector<1x16xf32>,
      %broadcast_in_dim3A_149 = arith.constant 0.000000e+00 : f32
      %broadcast_in_dim3A_150 = vector.broadcast %broadcast_in_dim3A_149 : f32 to vector<16xf32>
      %swap3A_151 = arith.index_cast %scan3A_122 : i32 to index
      %swap3A_152 = arith.constant 64 : index
      %swap3A_153 = tpu.vector_load %arg10[%swap3A_151, %swap3A_152] {strides = array<i32>} : memref<80x128xf32, #tpu.memory_space<vmem>>, vector<1x16xf32>,
      %swap3A_154 = vector.shape_cast %swap3A_153 : vector<1x16xf32> to vector<16xf32>
      %swap3A_155 = vector.shape_cast %broadcast_in_dim3A_150 : vector<16xf32> to vector<1x16xf32>
      tpu.vector_store %arg10[%swap3A_151, %swap3A_152], %swap3A_155 {strides = array<i32>} : memref<80x128xf32, #tpu.memory_space<vmem>>, vector<1x16xf32>,
      %broadcast_in_dim3A_156 = arith.constant 0.000000e+00 : f32
      %broadcast_in_dim3A_157 = vector.broadcast %broadcast_in_dim3A_156 : f32 to vector<16xf32>
      %swap3A_158 = arith.index_cast %scan3A_122 : i32 to index
      %swap3A_159 = arith.constant 80 : index
      %swap3A_160 = tpu.vector_load %arg10[%swap3A_158, %swap3A_159] {strides = array<i32>} : memref<80x128xf32, #tpu.memory_space<vmem>>, vector<1x16xf32>,
      %swap3A_161 = vector.shape_cast %swap3A_160 : vector<1x16xf32> to vector<16xf32>
      %swap3A_162 = vector.shape_cast %broadcast_in_dim3A_157 : vector<16xf32> to vector<1x16xf32>
      tpu.vector_store %arg10[%swap3A_158, %swap3A_159], %swap3A_162 {strides = array<i32>} : memref<80x128xf32, #tpu.memory_space<vmem>>, vector<1x16xf32>,
      %broadcast_in_dim3A_163 = arith.constant 0.000000e+00 : f32
      %broadcast_in_dim3A_164 = vector.broadcast %broadcast_in_dim3A_163 : f32 to vector<16xf32>
      %swap3A_165 = arith.index_cast %scan3A_122 : i32 to index
      %swap3A_166 = arith.constant 96 : index
      %swap3A_167 = tpu.vector_load %arg10[%swap3A_165, %swap3A_166] {strides = array<i32>} : memref<80x128xf32, #tpu.memory_space<vmem>>, vector<1x16xf32>,
      %swap3A_168 = vector.shape_cast %swap3A_167 : vector<1x16xf32> to vector<16xf32>
      %swap3A_169 = vector.shape_cast %broadcast_in_dim3A_164 : vector<16xf32> to vector<1x16xf32>
      tpu.vector_store %arg10[%swap3A_165, %swap3A_166], %swap3A_169 {strides = array<i32>} : memref<80x128xf32, #tpu.memory_space<vmem>>, vector<1x16xf32>,
      %broadcast_in_dim3A_170 = arith.constant 0.000000e+00 : f32
      %broadcast_in_dim3A_171 = vector.broadcast %broadcast_in_dim3A_170 : f32 to vector<16xf32>
      %swap3A_172 = arith.index_cast %scan3A_122 : i32 to index
      %swap3A_173 = arith.constant 112 : index
      %swap3A_174 = tpu.vector_load %arg10[%swap3A_172, %swap3A_173] {strides = array<i32>} : memref<80x128xf32, #tpu.memory_space<vmem>>, vector<1x16xf32>,
      %swap3A_175 = vector.shape_cast %swap3A_174 : vector<1x16xf32> to vector<16xf32>
      %swap3A_176 = vector.shape_cast %broadcast_in_dim3A_171 : vector<16xf32> to vector<1x16xf32>
      tpu.vector_store %arg10[%swap3A_172, %swap3A_173], %swap3A_176 {strides = array<i32>} : memref<80x128xf32, #tpu.memory_space<vmem>>, vector<1x16xf32>,
      %broadcast_in_dim3A_177 = arith.constant 0.000000e+00 : f32
      %broadcast_in_dim3A_178 = vector.broadcast %broadcast_in_dim3A_177 : f32 to vector<8xf32>
      %swap3A_179 = arith.index_cast %scan3A_122 : i32 to index
      %swap3A_180 = arith.constant 0 : index
      %swap3A_181 = tpu.vector_load %arg12[%swap3A_179, %swap3A_180] {strides = array<i32>} : memref<80x8xf32, #tpu.memory_space<vmem>>, vector<1x8xf32>,
      %swap3A_182 = vector.shape_cast %swap3A_181 : vector<1x8xf32> to vector<8xf32>
      %swap3A_183 = vector.shape_cast %broadcast_in_dim3A_178 : vector<8xf32> to vector<1x8xf32>
      tpu.vector_store %arg12[%swap3A_179, %swap3A_180], %swap3A_183 {strides = array<i32>} : memref<80x8xf32, #tpu.memory_space<vmem>>, vector<1x8xf32>,
    }
    %scan3A_7 = arith.constant 80 : i32
    %mul3A_8 = arith.constant 8 : i32
    %mul3A_9 = arith.muli %arg1, %mul3A_8 : i32
    %add3A = arith.constant 0 : i32
    %add3A_10 = arith.addi %mul3A_9, %add3A : i32
    %lt3A = arith.constant 125 : i32
    %lt3A_11 = arith.cmpi slt, %add3A_10, %lt3A : i32
    %convert_element_type3A = arith.extui %lt3A_11 : i1 to i32
    %cond3A = arith.constant 0 : i32
    %cond3A_12 = arith.cmpi ne, %convert_element_type3A, %cond3A : i32
    scf.if %cond3A_12 {
      %mul3A_122 = arith.constant 80 : i32
      %mul3A_123 = arith.muli %add3A_10, %mul3A_122 : i32
      "tpu.region"() ({
        %run_scoped3A = tpu.sem_alloc : memref<!tpu.dma_semaphore, #tpu.memory_space<semaphore_mem>>
        %dma_start3A_126 = arith.constant 0 : i32
        %dma_start3A_127 = tpu.memref_slice %arg15[%mul3A_123, %dma_start3A_126] : memref<10000x128xf32, #tpu.memory_space<vmem_shared>> -> memref<80x128xf32, #tpu.memory_space<vmem_shared>>
        %dma_start3A_128 = arith.constant 0 : i32
        %dma_start3A_129 = tpu.memref_slice %arg15[%mul3A_123, %dma_start3A_128] : memref<10000x128xf32, #tpu.memory_space<vmem_shared>> -> memref<80x128xf32, #tpu.memory_space<vmem_shared>>
        tpu.enqueue_dma source(%arg10 : memref<80x128xf32, #tpu.memory_space<vmem>>) target(%dma_start3A_129 : memref<80x128xf32, #tpu.memory_space<vmem_shared>>) target_semaphore(%run_scoped3A : memref<!tpu.dma_semaphore, #tpu.memory_space<semaphore_mem>>)
        %dma_wait3A = arith.constant 0 : i32
        %dma_wait3A_130 = tpu.memref_slice %arg15[%mul3A_123, %dma_wait3A] : memref<10000x128xf32, #tpu.memory_space<vmem_shared>> -> memref<80x128xf32, #tpu.memory_space<vmem_shared>>
        %dma_wait3A_131 = arith.constant 0 : i32
        %dma_wait3A_132 = tpu.memref_slice %arg15[%mul3A_123, %dma_wait3A_131] : memref<10000x128xf32, #tpu.memory_space<vmem_shared>> -> memref<80x128xf32, #tpu.memory_space<vmem_shared>>
        tpu.wait_dma2 semaphore(%run_scoped3A : memref<!tpu.dma_semaphore, #tpu.memory_space<semaphore_mem>>) src(%arg10 : memref<80x128xf32, #tpu.memory_space<vmem>>) dst(%dma_wait3A_132 : memref<80x128xf32, #tpu.memory_space<vmem_shared>>)
        tpu.yield
      }) : () -> ()
      %mul3A_124 = arith.constant 80 : i32
      %mul3A_125 = arith.muli %add3A_10, %mul3A_124 : i32
      "tpu.region"() ({
        %run_scoped3A = tpu.sem_alloc : memref<!tpu.dma_semaphore, #tpu.memory_space<semaphore_mem>>
        %dma_start3A_126 = arith.constant 0 : i32
        %dma_start3A_127 = tpu.memref_slice %arg14[%mul3A_125, %dma_start3A_126] : memref<10000x8xf32, #tpu.memory_space<vmem_shared>> -> memref<80x8xf32, #tpu.memory_space<vmem_shared>>
        %dma_start3A_128 = arith.constant 0 : i32
        %dma_start3A_129 = tpu.memref_slice %arg14[%mul3A_125, %dma_start3A_128] : memref<10000x8xf32, #tpu.memory_space<vmem_shared>> -> memref<80x8xf32, #tpu.memory_space<vmem_shared>>
        tpu.enqueue_dma source(%arg12 : memref<80x8xf32, #tpu.memory_space<vmem>>) target(%dma_start3A_129 : memref<80x8xf32, #tpu.memory_space<vmem_shared>>) target_semaphore(%run_scoped3A : memref<!tpu.dma_semaphore, #tpu.memory_space<semaphore_mem>>)
        %dma_wait3A = arith.constant 0 : i32
        %dma_wait3A_130 = tpu.memref_slice %arg14[%mul3A_125, %dma_wait3A] : memref<10000x8xf32, #tpu.memory_space<vmem_shared>> -> memref<80x8xf32, #tpu.memory_space<vmem_shared>>
        %dma_wait3A_131 = arith.constant 0 : i32
        %dma_wait3A_132 = tpu.memref_slice %arg14[%mul3A_125, %dma_wait3A_131] : memref<10000x8xf32, #tpu.memory_space<vmem_shared>> -> memref<80x8xf32, #tpu.memory_space<vmem_shared>>
        tpu.wait_dma2 semaphore(%run_scoped3A : memref<!tpu.dma_semaphore, #tpu.memory_space<semaphore_mem>>) src(%arg12 : memref<80x8xf32, #tpu.memory_space<vmem>>) dst(%dma_wait3A_132 : memref<80x8xf32, #tpu.memory_space<vmem_shared>>)
        tpu.yield
      }) : () -> ()
    } else {
    }
    %mul3A_13 = arith.constant 8 : i32
    %mul3A_14 = arith.muli %arg1, %mul3A_13 : i32
    %add3A_15 = arith.constant 1 : i32
    %add3A_16 = arith.addi %mul3A_14, %add3A_15 : i32
    %lt3A_17 = arith.constant 125 : i32
    %lt3A_18 = arith.cmpi slt, %add3A_16, %lt3A_17 : i32
    %convert_element_type3A_19 = arith.extui %lt3A_18 : i1 to i32
    %cond3A_20 = arith.constant 0 : i32
    %cond3A_21 = arith.cmpi ne, %convert_element_type3A_19, %cond3A_20 : i32
    scf.if %cond3A_21 {
      %mul3A_122 = arith.constant 80 : i32
      %mul3A_123 = arith.muli %add3A_16, %mul3A_122 : i32
      "tpu.region"() ({
        %run_scoped3A = tpu.sem_alloc : memref<!tpu.dma_semaphore, #tpu.memory_space<semaphore_mem>>
        %dma_start3A_126 = arith.constant 0 : i32
        %dma_start3A_127 = tpu.memref_slice %arg15[%mul3A_123, %dma_start3A_126] : memref<10000x128xf32, #tpu.memory_space<vmem_shared>> -> memref<80x128xf32, #tpu.memory_space<vmem_shared>>
        %dma_start3A_128 = arith.constant 0 : i32
        %dma_start3A_129 = tpu.memref_slice %arg15[%mul3A_123, %dma_start3A_128] : memref<10000x128xf32, #tpu.memory_space<vmem_shared>> -> memref<80x128xf32, #tpu.memory_space<vmem_shared>>
        tpu.enqueue_dma source(%arg10 : memref<80x128xf32, #tpu.memory_space<vmem>>) target(%dma_start3A_129 : memref<80x128xf32, #tpu.memory_space<vmem_shared>>) target_semaphore(%run_scoped3A : memref<!tpu.dma_semaphore, #tpu.memory_space<semaphore_mem>>)
        %dma_wait3A = arith.constant 0 : i32
        %dma_wait3A_130 = tpu.memref_slice %arg15[%mul3A_123, %dma_wait3A] : memref<10000x128xf32, #tpu.memory_space<vmem_shared>> -> memref<80x128xf32, #tpu.memory_space<vmem_shared>>
        %dma_wait3A_131 = arith.constant 0 : i32
        %dma_wait3A_132 = tpu.memref_slice %arg15[%mul3A_123, %dma_wait3A_131] : memref<10000x128xf32, #tpu.memory_space<vmem_shared>> -> memref<80x128xf32, #tpu.memory_space<vmem_shared>>
        tpu.wait_dma2 semaphore(%run_scoped3A : memref<!tpu.dma_semaphore, #tpu.memory_space<semaphore_mem>>) src(%arg10 : memref<80x128xf32, #tpu.memory_space<vmem>>) dst(%dma_wait3A_132 : memref<80x128xf32, #tpu.memory_space<vmem_shared>>)
        tpu.yield
      }) : () -> ()
      %mul3A_124 = arith.constant 80 : i32
      %mul3A_125 = arith.muli %add3A_16, %mul3A_124 : i32
      "tpu.region"() ({
        %run_scoped3A = tpu.sem_alloc : memref<!tpu.dma_semaphore, #tpu.memory_space<semaphore_mem>>
        %dma_start3A_126 = arith.constant 0 : i32
        %dma_start3A_127 = tpu.memref_slice %arg14[%mul3A_125, %dma_start3A_126] : memref<10000x8xf32, #tpu.memory_space<vmem_shared>> -> memref<80x8xf32, #tpu.memory_space<vmem_shared>>
        %dma_start3A_128 = arith.constant 0 : i32
        %dma_start3A_129 = tpu.memref_slice %arg14[%mul3A_125, %dma_start3A_128] : memref<10000x8xf32, #tpu.memory_space<vmem_shared>> -> memref<80x8xf32, #tpu.memory_space<vmem_shared>>
        tpu.enqueue_dma source(%arg12 : memref<80x8xf32, #tpu.memory_space<vmem>>) target(%dma_start3A_129 : memref<80x8xf32, #tpu.memory_space<vmem_shared>>) target_semaphore(%run_scoped3A : memref<!tpu.dma_semaphore, #tpu.memory_space<semaphore_mem>>)
        %dma_wait3A = arith.constant 0 : i32
        %dma_wait3A_130 = tpu.memref_slice %arg14[%mul3A_125, %dma_wait3A] : memref<10000x8xf32, #tpu.memory_space<vmem_shared>> -> memref<80x8xf32, #tpu.memory_space<vmem_shared>>
        %dma_wait3A_131 = arith.constant 0 : i32
        %dma_wait3A_132 = tpu.memref_slice %arg14[%mul3A_125, %dma_wait3A_131] : memref<10000x8xf32, #tpu.memory_space<vmem_shared>> -> memref<80x8xf32, #tpu.memory_space<vmem_shared>>
        tpu.wait_dma2 semaphore(%run_scoped3A : memref<!tpu.dma_semaphore, #tpu.memory_space<semaphore_mem>>) src(%arg12 : memref<80x8xf32, #tpu.memory_space<vmem>>) dst(%dma_wait3A_132 : memref<80x8xf32, #tpu.memory_space<vmem_shared>>)
        tpu.yield
      }) : () -> ()
    } else {
    }
    %mul3A_22 = arith.constant 8 : i32
    %mul3A_23 = arith.muli %arg1, %mul3A_22 : i32
    %add3A_24 = arith.constant 2 : i32
    %add3A_25 = arith.addi %mul3A_23, %add3A_24 : i32
    %lt3A_26 = arith.constant 125 : i32
    %lt3A_27 = arith.cmpi slt, %add3A_25, %lt3A_26 : i32
    %convert_element_type3A_28 = arith.extui %lt3A_27 : i1 to i32
    %cond3A_29 = arith.constant 0 : i32
    %cond3A_30 = arith.cmpi ne, %convert_element_type3A_28, %cond3A_29 : i32
    scf.if %cond3A_30 {
      %mul3A_122 = arith.constant 80 : i32
      %mul3A_123 = arith.muli %add3A_25, %mul3A_122 : i32
      "tpu.region"() ({
        %run_scoped3A = tpu.sem_alloc : memref<!tpu.dma_semaphore, #tpu.memory_space<semaphore_mem>>
        %dma_start3A_126 = arith.constant 0 : i32
        %dma_start3A_127 = tpu.memref_slice %arg15[%mul3A_123, %dma_start3A_126] : memref<10000x128xf32, #tpu.memory_space<vmem_shared>> -> memref<80x128xf32, #tpu.memory_space<vmem_shared>>
        %dma_start3A_128 = arith.constant 0 : i32
        %dma_start3A_129 = tpu.memref_slice %arg15[%mul3A_123, %dma_start3A_128] : memref<10000x128xf32, #tpu.memory_space<vmem_shared>> -> memref<80x128xf32, #tpu.memory_space<vmem_shared>>
        tpu.enqueue_dma source(%arg10 : memref<80x128xf32, #tpu.memory_space<vmem>>) target(%dma_start3A_129 : memref<80x128xf32, #tpu.memory_space<vmem_shared>>) target_semaphore(%run_scoped3A : memref<!tpu.dma_semaphore, #tpu.memory_space<semaphore_mem>>)
        %dma_wait3A = arith.constant 0 : i32
        %dma_wait3A_130 = tpu.memref_slice %arg15[%mul3A_123, %dma_wait3A] : memref<10000x128xf32, #tpu.memory_space<vmem_shared>> -> memref<80x128xf32, #tpu.memory_space<vmem_shared>>
        %dma_wait3A_131 = arith.constant 0 : i32
        %dma_wait3A_132 = tpu.memref_slice %arg15[%mul3A_123, %dma_wait3A_131] : memref<10000x128xf32, #tpu.memory_space<vmem_shared>> -> memref<80x128xf32, #tpu.memory_space<vmem_shared>>
        tpu.wait_dma2 semaphore(%run_scoped3A : memref<!tpu.dma_semaphore, #tpu.memory_space<semaphore_mem>>) src(%arg10 : memref<80x128xf32, #tpu.memory_space<vmem>>) dst(%dma_wait3A_132 : memref<80x128xf32, #tpu.memory_space<vmem_shared>>)
        tpu.yield
      }) : () -> ()
      %mul3A_124 = arith.constant 80 : i32
      %mul3A_125 = arith.muli %add3A_25, %mul3A_124 : i32
      "tpu.region"() ({
        %run_scoped3A = tpu.sem_alloc : memref<!tpu.dma_semaphore, #tpu.memory_space<semaphore_mem>>
        %dma_start3A_126 = arith.constant 0 : i32
        %dma_start3A_127 = tpu.memref_slice %arg14[%mul3A_125, %dma_start3A_126] : memref<10000x8xf32, #tpu.memory_space<vmem_shared>> -> memref<80x8xf32, #tpu.memory_space<vmem_shared>>
        %dma_start3A_128 = arith.constant 0 : i32
        %dma_start3A_129 = tpu.memref_slice %arg14[%mul3A_125, %dma_start3A_128] : memref<10000x8xf32, #tpu.memory_space<vmem_shared>> -> memref<80x8xf32, #tpu.memory_space<vmem_shared>>
        tpu.enqueue_dma source(%arg12 : memref<80x8xf32, #tpu.memory_space<vmem>>) target(%dma_start3A_129 : memref<80x8xf32, #tpu.memory_space<vmem_shared>>) target_semaphore(%run_scoped3A : memref<!tpu.dma_semaphore, #tpu.memory_space<semaphore_mem>>)
        %dma_wait3A = arith.constant 0 : i32
        %dma_wait3A_130 = tpu.memref_slice %arg14[%mul3A_125, %dma_wait3A] : memref<10000x8xf32, #tpu.memory_space<vmem_shared>> -> memref<80x8xf32, #tpu.memory_space<vmem_shared>>
        %dma_wait3A_131 = arith.constant 0 : i32
        %dma_wait3A_132 = tpu.memref_slice %arg14[%mul3A_125, %dma_wait3A_131] : memref<10000x8xf32, #tpu.memory_space<vmem_shared>> -> memref<80x8xf32, #tpu.memory_space<vmem_shared>>
        tpu.wait_dma2 semaphore(%run_scoped3A : memref<!tpu.dma_semaphore, #tpu.memory_space<semaphore_mem>>) src(%arg12 : memref<80x8xf32, #tpu.memory_space<vmem>>) dst(%dma_wait3A_132 : memref<80x8xf32, #tpu.memory_space<vmem_shared>>)
        tpu.yield
      }) : () -> ()
    } else {
    }
    %mul3A_31 = arith.constant 8 : i32
    %mul3A_32 = arith.muli %arg1, %mul3A_31 : i32
    %add3A_33 = arith.constant 3 : i32
    %add3A_34 = arith.addi %mul3A_32, %add3A_33 : i32
    %lt3A_35 = arith.constant 125 : i32
    %lt3A_36 = arith.cmpi slt, %add3A_34, %lt3A_35 : i32
    %convert_element_type3A_37 = arith.extui %lt3A_36 : i1 to i32
    %cond3A_38 = arith.constant 0 : i32
    %cond3A_39 = arith.cmpi ne, %convert_element_type3A_37, %cond3A_38 : i32
    scf.if %cond3A_39 {
      %mul3A_122 = arith.constant 80 : i32
      %mul3A_123 = arith.muli %add3A_34, %mul3A_122 : i32
      "tpu.region"() ({
        %run_scoped3A = tpu.sem_alloc : memref<!tpu.dma_semaphore, #tpu.memory_space<semaphore_mem>>
        %dma_start3A_126 = arith.constant 0 : i32
        %dma_start3A_127 = tpu.memref_slice %arg15[%mul3A_123, %dma_start3A_126] : memref<10000x128xf32, #tpu.memory_space<vmem_shared>> -> memref<80x128xf32, #tpu.memory_space<vmem_shared>>
        %dma_start3A_128 = arith.constant 0 : i32
        %dma_start3A_129 = tpu.memref_slice %arg15[%mul3A_123, %dma_start3A_128] : memref<10000x128xf32, #tpu.memory_space<vmem_shared>> -> memref<80x128xf32, #tpu.memory_space<vmem_shared>>
        tpu.enqueue_dma source(%arg10 : memref<80x128xf32, #tpu.memory_space<vmem>>) target(%dma_start3A_129 : memref<80x128xf32, #tpu.memory_space<vmem_shared>>) target_semaphore(%run_scoped3A : memref<!tpu.dma_semaphore, #tpu.memory_space<semaphore_mem>>)
        %dma_wait3A = arith.constant 0 : i32
        %dma_wait3A_130 = tpu.memref_slice %arg15[%mul3A_123, %dma_wait3A] : memref<10000x128xf32, #tpu.memory_space<vmem_shared>> -> memref<80x128xf32, #tpu.memory_space<vmem_shared>>
        %dma_wait3A_131 = arith.constant 0 : i32
        %dma_wait3A_132 = tpu.memref_slice %arg15[%mul3A_123, %dma_wait3A_131] : memref<10000x128xf32, #tpu.memory_space<vmem_shared>> -> memref<80x128xf32, #tpu.memory_space<vmem_shared>>
        tpu.wait_dma2 semaphore(%run_scoped3A : memref<!tpu.dma_semaphore, #tpu.memory_space<semaphore_mem>>) src(%arg10 : memref<80x128xf32, #tpu.memory_space<vmem>>) dst(%dma_wait3A_132 : memref<80x128xf32, #tpu.memory_space<vmem_shared>>)
        tpu.yield
      }) : () -> ()
      %mul3A_124 = arith.constant 80 : i32
      %mul3A_125 = arith.muli %add3A_34, %mul3A_124 : i32
      "tpu.region"() ({
        %run_scoped3A = tpu.sem_alloc : memref<!tpu.dma_semaphore, #tpu.memory_space<semaphore_mem>>
        %dma_start3A_126 = arith.constant 0 : i32
        %dma_start3A_127 = tpu.memref_slice %arg14[%mul3A_125, %dma_start3A_126] : memref<10000x8xf32, #tpu.memory_space<vmem_shared>> -> memref<80x8xf32, #tpu.memory_space<vmem_shared>>
        %dma_start3A_128 = arith.constant 0 : i32
        %dma_start3A_129 = tpu.memref_slice %arg14[%mul3A_125, %dma_start3A_128] : memref<10000x8xf32, #tpu.memory_space<vmem_shared>> -> memref<80x8xf32, #tpu.memory_space<vmem_shared>>
        tpu.enqueue_dma source(%arg12 : memref<80x8xf32, #tpu.memory_space<vmem>>) target(%dma_start3A_129 : memref<80x8xf32, #tpu.memory_space<vmem_shared>>) target_semaphore(%run_scoped3A : memref<!tpu.dma_semaphore, #tpu.memory_space<semaphore_mem>>)
        %dma_wait3A = arith.constant 0 : i32
        %dma_wait3A_130 = tpu.memref_slice %arg14[%mul3A_125, %dma_wait3A] : memref<10000x8xf32, #tpu.memory_space<vmem_shared>> -> memref<80x8xf32, #tpu.memory_space<vmem_shared>>
        %dma_wait3A_131 = arith.constant 0 : i32
        %dma_wait3A_132 = tpu.memref_slice %arg14[%mul3A_125, %dma_wait3A_131] : memref<10000x8xf32, #tpu.memory_space<vmem_shared>> -> memref<80x8xf32, #tpu.memory_space<vmem_shared>>
        tpu.wait_dma2 semaphore(%run_scoped3A : memref<!tpu.dma_semaphore, #tpu.memory_space<semaphore_mem>>) src(%arg12 : memref<80x8xf32, #tpu.memory_space<vmem>>) dst(%dma_wait3A_132 : memref<80x8xf32, #tpu.memory_space<vmem_shared>>)
        tpu.yield
      }) : () -> ()
    } else {
    }
    %mul3A_40 = arith.constant 8 : i32
    %mul3A_41 = arith.muli %arg1, %mul3A_40 : i32
    %add3A_42 = arith.constant 4 : i32
    %add3A_43 = arith.addi %mul3A_41, %add3A_42 : i32
    %lt3A_44 = arith.constant 125 : i32
    %lt3A_45 = arith.cmpi slt, %add3A_43, %lt3A_44 : i32
    %convert_element_type3A_46 = arith.extui %lt3A_45 : i1 to i32
    %cond3A_47 = arith.constant 0 : i32
    %cond3A_48 = arith.cmpi ne, %convert_element_type3A_46, %cond3A_47 : i32
    scf.if %cond3A_48 {
      %mul3A_122 = arith.constant 80 : i32
      %mul3A_123 = arith.muli %add3A_43, %mul3A_122 : i32
      "tpu.region"() ({
        %run_scoped3A = tpu.sem_alloc : memref<!tpu.dma_semaphore, #tpu.memory_space<semaphore_mem>>
        %dma_start3A_126 = arith.constant 0 : i32
        %dma_start3A_127 = tpu.memref_slice %arg15[%mul3A_123, %dma_start3A_126] : memref<10000x128xf32, #tpu.memory_space<vmem_shared>> -> memref<80x128xf32, #tpu.memory_space<vmem_shared>>
        %dma_start3A_128 = arith.constant 0 : i32
        %dma_start3A_129 = tpu.memref_slice %arg15[%mul3A_123, %dma_start3A_128] : memref<10000x128xf32, #tpu.memory_space<vmem_shared>> -> memref<80x128xf32, #tpu.memory_space<vmem_shared>>
        tpu.enqueue_dma source(%arg10 : memref<80x128xf32, #tpu.memory_space<vmem>>) target(%dma_start3A_129 : memref<80x128xf32, #tpu.memory_space<vmem_shared>>) target_semaphore(%run_scoped3A : memref<!tpu.dma_semaphore, #tpu.memory_space<semaphore_mem>>)
        %dma_wait3A = arith.constant 0 : i32
        %dma_wait3A_130 = tpu.memref_slice %arg15[%mul3A_123, %dma_wait3A] : memref<10000x128xf32, #tpu.memory_space<vmem_shared>> -> memref<80x128xf32, #tpu.memory_space<vmem_shared>>
        %dma_wait3A_131 = arith.constant 0 : i32
        %dma_wait3A_132 = tpu.memref_slice %arg15[%mul3A_123, %dma_wait3A_131] : memref<10000x128xf32, #tpu.memory_space<vmem_shared>> -> memref<80x128xf32, #tpu.memory_space<vmem_shared>>
        tpu.wait_dma2 semaphore(%run_scoped3A : memref<!tpu.dma_semaphore, #tpu.memory_space<semaphore_mem>>) src(%arg10 : memref<80x128xf32, #tpu.memory_space<vmem>>) dst(%dma_wait3A_132 : memref<80x128xf32, #tpu.memory_space<vmem_shared>>)
        tpu.yield
      }) : () -> ()
      %mul3A_124 = arith.constant 80 : i32
      %mul3A_125 = arith.muli %add3A_43, %mul3A_124 : i32
      "tpu.region"() ({
        %run_scoped3A = tpu.sem_alloc : memref<!tpu.dma_semaphore, #tpu.memory_space<semaphore_mem>>
        %dma_start3A_126 = arith.constant 0 : i32
        %dma_start3A_127 = tpu.memref_slice %arg14[%mul3A_125, %dma_start3A_126] : memref<10000x8xf32, #tpu.memory_space<vmem_shared>> -> memref<80x8xf32, #tpu.memory_space<vmem_shared>>
        %dma_start3A_128 = arith.constant 0 : i32
        %dma_start3A_129 = tpu.memref_slice %arg14[%mul3A_125, %dma_start3A_128] : memref<10000x8xf32, #tpu.memory_space<vmem_shared>> -> memref<80x8xf32, #tpu.memory_space<vmem_shared>>
        tpu.enqueue_dma source(%arg12 : memref<80x8xf32, #tpu.memory_space<vmem>>) target(%dma_start3A_129 : memref<80x8xf32, #tpu.memory_space<vmem_shared>>) target_semaphore(%run_scoped3A : memref<!tpu.dma_semaphore, #tpu.memory_space<semaphore_mem>>)
        %dma_wait3A = arith.constant 0 : i32
        %dma_wait3A_130 = tpu.memref_slice %arg14[%mul3A_125, %dma_wait3A] : memref<10000x8xf32, #tpu.memory_space<vmem_shared>> -> memref<80x8xf32, #tpu.memory_space<vmem_shared>>
        %dma_wait3A_131 = arith.constant 0 : i32
        %dma_wait3A_132 = tpu.memref_slice %arg14[%mul3A_125, %dma_wait3A_131] : memref<10000x8xf32, #tpu.memory_space<vmem_shared>> -> memref<80x8xf32, #tpu.memory_space<vmem_shared>>
        tpu.wait_dma2 semaphore(%run_scoped3A : memref<!tpu.dma_semaphore, #tpu.memory_space<semaphore_mem>>) src(%arg12 : memref<80x8xf32, #tpu.memory_space<vmem>>) dst(%dma_wait3A_132 : memref<80x8xf32, #tpu.memory_space<vmem_shared>>)
        tpu.yield
      }) : () -> ()
    } else {
    }
    %mul3A_49 = arith.constant 8 : i32
    %mul3A_50 = arith.muli %arg1, %mul3A_49 : i32
    %add3A_51 = arith.constant 5 : i32
    %add3A_52 = arith.addi %mul3A_50, %add3A_51 : i32
    %lt3A_53 = arith.constant 125 : i32
    %lt3A_54 = arith.cmpi slt, %add3A_52, %lt3A_53 : i32
    %convert_element_type3A_55 = arith.extui %lt3A_54 : i1 to i32
    %cond3A_56 = arith.constant 0 : i32
    %cond3A_57 = arith.cmpi ne, %convert_element_type3A_55, %cond3A_56 : i32
    scf.if %cond3A_57 {
      %mul3A_122 = arith.constant 80 : i32
      %mul3A_123 = arith.muli %add3A_52, %mul3A_122 : i32
      "tpu.region"() ({
        %run_scoped3A = tpu.sem_alloc : memref<!tpu.dma_semaphore, #tpu.memory_space<semaphore_mem>>
        %dma_start3A_126 = arith.constant 0 : i32
        %dma_start3A_127 = tpu.memref_slice %arg15[%mul3A_123, %dma_start3A_126] : memref<10000x128xf32, #tpu.memory_space<vmem_shared>> -> memref<80x128xf32, #tpu.memory_space<vmem_shared>>
        %dma_start3A_128 = arith.constant 0 : i32
        %dma_start3A_129 = tpu.memref_slice %arg15[%mul3A_123, %dma_start3A_128] : memref<10000x128xf32, #tpu.memory_space<vmem_shared>> -> memref<80x128xf32, #tpu.memory_space<vmem_shared>>
        tpu.enqueue_dma source(%arg10 : memref<80x128xf32, #tpu.memory_space<vmem>>) target(%dma_start3A_129 : memref<80x128xf32, #tpu.memory_space<vmem_shared>>) target_semaphore(%run_scoped3A : memref<!tpu.dma_semaphore, #tpu.memory_space<semaphore_mem>>)
        %dma_wait3A = arith.constant 0 : i32
        %dma_wait3A_130 = tpu.memref_slice %arg15[%mul3A_123, %dma_wait3A] : memref<10000x128xf32, #tpu.memory_space<vmem_shared>> -> memref<80x128xf32, #tpu.memory_space<vmem_shared>>
        %dma_wait3A_131 = arith.constant 0 : i32
        %dma_wait3A_132 = tpu.memref_slice %arg15[%mul3A_123, %dma_wait3A_131] : memref<10000x128xf32, #tpu.memory_space<vmem_shared>> -> memref<80x128xf32, #tpu.memory_space<vmem_shared>>
        tpu.wait_dma2 semaphore(%run_scoped3A : memref<!tpu.dma_semaphore, #tpu.memory_space<semaphore_mem>>) src(%arg10 : memref<80x128xf32, #tpu.memory_space<vmem>>) dst(%dma_wait3A_132 : memref<80x128xf32, #tpu.memory_space<vmem_shared>>)
        tpu.yield
      }) : () -> ()
      %mul3A_124 = arith.constant 80 : i32
      %mul3A_125 = arith.muli %add3A_52, %mul3A_124 : i32
      "tpu.region"() ({
        %run_scoped3A = tpu.sem_alloc : memref<!tpu.dma_semaphore, #tpu.memory_space<semaphore_mem>>
        %dma_start3A_126 = arith.constant 0 : i32
        %dma_start3A_127 = tpu.memref_slice %arg14[%mul3A_125, %dma_start3A_126] : memref<10000x8xf32, #tpu.memory_space<vmem_shared>> -> memref<80x8xf32, #tpu.memory_space<vmem_shared>>
        %dma_start3A_128 = arith.constant 0 : i32
        %dma_start3A_129 = tpu.memref_slice %arg14[%mul3A_125, %dma_start3A_128] : memref<10000x8xf32, #tpu.memory_space<vmem_shared>> -> memref<80x8xf32, #tpu.memory_space<vmem_shared>>
        tpu.enqueue_dma source(%arg12 : memref<80x8xf32, #tpu.memory_space<vmem>>) target(%dma_start3A_129 : memref<80x8xf32, #tpu.memory_space<vmem_shared>>) target_semaphore(%run_scoped3A : memref<!tpu.dma_semaphore, #tpu.memory_space<semaphore_mem>>)
        %dma_wait3A = arith.constant 0 : i32
        %dma_wait3A_130 = tpu.memref_slice %arg14[%mul3A_125, %dma_wait3A] : memref<10000x8xf32, #tpu.memory_space<vmem_shared>> -> memref<80x8xf32, #tpu.memory_space<vmem_shared>>
        %dma_wait3A_131 = arith.constant 0 : i32
        %dma_wait3A_132 = tpu.memref_slice %arg14[%mul3A_125, %dma_wait3A_131] : memref<10000x8xf32, #tpu.memory_space<vmem_shared>> -> memref<80x8xf32, #tpu.memory_space<vmem_shared>>
        tpu.wait_dma2 semaphore(%run_scoped3A : memref<!tpu.dma_semaphore, #tpu.memory_space<semaphore_mem>>) src(%arg12 : memref<80x8xf32, #tpu.memory_space<vmem>>) dst(%dma_wait3A_132 : memref<80x8xf32, #tpu.memory_space<vmem_shared>>)
        tpu.yield
      }) : () -> ()
    } else {
    }
    %mul3A_58 = arith.constant 8 : i32
    %mul3A_59 = arith.muli %arg1, %mul3A_58 : i32
    %add3A_60 = arith.constant 6 : i32
    %add3A_61 = arith.addi %mul3A_59, %add3A_60 : i32
    %lt3A_62 = arith.constant 125 : i32
    %lt3A_63 = arith.cmpi slt, %add3A_61, %lt3A_62 : i32
    %convert_element_type3A_64 = arith.extui %lt3A_63 : i1 to i32
    %cond3A_65 = arith.constant 0 : i32
    %cond3A_66 = arith.cmpi ne, %convert_element_type3A_64, %cond3A_65 : i32
    scf.if %cond3A_66 {
      %mul3A_122 = arith.constant 80 : i32
      %mul3A_123 = arith.muli %add3A_61, %mul3A_122 : i32
      "tpu.region"() ({
        %run_scoped3A = tpu.sem_alloc : memref<!tpu.dma_semaphore, #tpu.memory_space<semaphore_mem>>
        %dma_start3A_126 = arith.constant 0 : i32
        %dma_start3A_127 = tpu.memref_slice %arg15[%mul3A_123, %dma_start3A_126] : memref<10000x128xf32, #tpu.memory_space<vmem_shared>> -> memref<80x128xf32, #tpu.memory_space<vmem_shared>>
        %dma_start3A_128 = arith.constant 0 : i32
        %dma_start3A_129 = tpu.memref_slice %arg15[%mul3A_123, %dma_start3A_128] : memref<10000x128xf32, #tpu.memory_space<vmem_shared>> -> memref<80x128xf32, #tpu.memory_space<vmem_shared>>
        tpu.enqueue_dma source(%arg10 : memref<80x128xf32, #tpu.memory_space<vmem>>) target(%dma_start3A_129 : memref<80x128xf32, #tpu.memory_space<vmem_shared>>) target_semaphore(%run_scoped3A : memref<!tpu.dma_semaphore, #tpu.memory_space<semaphore_mem>>)
        %dma_wait3A = arith.constant 0 : i32
        %dma_wait3A_130 = tpu.memref_slice %arg15[%mul3A_123, %dma_wait3A] : memref<10000x128xf32, #tpu.memory_space<vmem_shared>> -> memref<80x128xf32, #tpu.memory_space<vmem_shared>>
        %dma_wait3A_131 = arith.constant 0 : i32
        %dma_wait3A_132 = tpu.memref_slice %arg15[%mul3A_123, %dma_wait3A_131] : memref<10000x128xf32, #tpu.memory_space<vmem_shared>> -> memref<80x128xf32, #tpu.memory_space<vmem_shared>>
        tpu.wait_dma2 semaphore(%run_scoped3A : memref<!tpu.dma_semaphore, #tpu.memory_space<semaphore_mem>>) src(%arg10 : memref<80x128xf32, #tpu.memory_space<vmem>>) dst(%dma_wait3A_132 : memref<80x128xf32, #tpu.memory_space<vmem_shared>>)
        tpu.yield
      }) : () -> ()
      %mul3A_124 = arith.constant 80 : i32
      %mul3A_125 = arith.muli %add3A_61, %mul3A_124 : i32
      "tpu.region"() ({
        %run_scoped3A = tpu.sem_alloc : memref<!tpu.dma_semaphore, #tpu.memory_space<semaphore_mem>>
        %dma_start3A_126 = arith.constant 0 : i32
        %dma_start3A_127 = tpu.memref_slice %arg14[%mul3A_125, %dma_start3A_126] : memref<10000x8xf32, #tpu.memory_space<vmem_shared>> -> memref<80x8xf32, #tpu.memory_space<vmem_shared>>
        %dma_start3A_128 = arith.constant 0 : i32
        %dma_start3A_129 = tpu.memref_slice %arg14[%mul3A_125, %dma_start3A_128] : memref<10000x8xf32, #tpu.memory_space<vmem_shared>> -> memref<80x8xf32, #tpu.memory_space<vmem_shared>>
        tpu.enqueue_dma source(%arg12 : memref<80x8xf32, #tpu.memory_space<vmem>>) target(%dma_start3A_129 : memref<80x8xf32, #tpu.memory_space<vmem_shared>>) target_semaphore(%run_scoped3A : memref<!tpu.dma_semaphore, #tpu.memory_space<semaphore_mem>>)
        %dma_wait3A = arith.constant 0 : i32
        %dma_wait3A_130 = tpu.memref_slice %arg14[%mul3A_125, %dma_wait3A] : memref<10000x8xf32, #tpu.memory_space<vmem_shared>> -> memref<80x8xf32, #tpu.memory_space<vmem_shared>>
        %dma_wait3A_131 = arith.constant 0 : i32
        %dma_wait3A_132 = tpu.memref_slice %arg14[%mul3A_125, %dma_wait3A_131] : memref<10000x8xf32, #tpu.memory_space<vmem_shared>> -> memref<80x8xf32, #tpu.memory_space<vmem_shared>>
        tpu.wait_dma2 semaphore(%run_scoped3A : memref<!tpu.dma_semaphore, #tpu.memory_space<semaphore_mem>>) src(%arg12 : memref<80x8xf32, #tpu.memory_space<vmem>>) dst(%dma_wait3A_132 : memref<80x8xf32, #tpu.memory_space<vmem_shared>>)
        tpu.yield
      }) : () -> ()
    } else {
    }
    %mul3A_67 = arith.constant 8 : i32
    %mul3A_68 = arith.muli %arg1, %mul3A_67 : i32
    %add3A_69 = arith.constant 7 : i32
    %add3A_70 = arith.addi %mul3A_68, %add3A_69 : i32
    %lt3A_71 = arith.constant 125 : i32
    %lt3A_72 = arith.cmpi slt, %add3A_70, %lt3A_71 : i32
    %convert_element_type3A_73 = arith.extui %lt3A_72 : i1 to i32
    %cond3A_74 = arith.constant 0 : i32
    %cond3A_75 = arith.cmpi ne, %convert_element_type3A_73, %cond3A_74 : i32
    scf.if %cond3A_75 {
      %mul3A_122 = arith.constant 80 : i32
      %mul3A_123 = arith.muli %add3A_70, %mul3A_122 : i32
      "tpu.region"() ({
        %run_scoped3A = tpu.sem_alloc : memref<!tpu.dma_semaphore, #tpu.memory_space<semaphore_mem>>
        %dma_start3A_126 = arith.constant 0 : i32
        %dma_start3A_127 = tpu.memref_slice %arg15[%mul3A_123, %dma_start3A_126] : memref<10000x128xf32, #tpu.memory_space<vmem_shared>> -> memref<80x128xf32, #tpu.memory_space<vmem_shared>>
        %dma_start3A_128 = arith.constant 0 : i32
        %dma_start3A_129 = tpu.memref_slice %arg15[%mul3A_123, %dma_start3A_128] : memref<10000x128xf32, #tpu.memory_space<vmem_shared>> -> memref<80x128xf32, #tpu.memory_space<vmem_shared>>
        tpu.enqueue_dma source(%arg10 : memref<80x128xf32, #tpu.memory_space<vmem>>) target(%dma_start3A_129 : memref<80x128xf32, #tpu.memory_space<vmem_shared>>) target_semaphore(%run_scoped3A : memref<!tpu.dma_semaphore, #tpu.memory_space<semaphore_mem>>)
        %dma_wait3A = arith.constant 0 : i32
        %dma_wait3A_130 = tpu.memref_slice %arg15[%mul3A_123, %dma_wait3A] : memref<10000x128xf32, #tpu.memory_space<vmem_shared>> -> memref<80x128xf32, #tpu.memory_space<vmem_shared>>
        %dma_wait3A_131 = arith.constant 0 : i32
        %dma_wait3A_132 = tpu.memref_slice %arg15[%mul3A_123, %dma_wait3A_131] : memref<10000x128xf32, #tpu.memory_space<vmem_shared>> -> memref<80x128xf32, #tpu.memory_space<vmem_shared>>
        tpu.wait_dma2 semaphore(%run_scoped3A : memref<!tpu.dma_semaphore, #tpu.memory_space<semaphore_mem>>) src(%arg10 : memref<80x128xf32, #tpu.memory_space<vmem>>) dst(%dma_wait3A_132 : memref<80x128xf32, #tpu.memory_space<vmem_shared>>)
        tpu.yield
      }) : () -> ()
      %mul3A_124 = arith.constant 80 : i32
      %mul3A_125 = arith.muli %add3A_70, %mul3A_124 : i32
      "tpu.region"() ({
        %run_scoped3A = tpu.sem_alloc : memref<!tpu.dma_semaphore, #tpu.memory_space<semaphore_mem>>
        %dma_start3A_126 = arith.constant 0 : i32
        %dma_start3A_127 = tpu.memref_slice %arg14[%mul3A_125, %dma_start3A_126] : memref<10000x8xf32, #tpu.memory_space<vmem_shared>> -> memref<80x8xf32, #tpu.memory_space<vmem_shared>>
        %dma_start3A_128 = arith.constant 0 : i32
        %dma_start3A_129 = tpu.memref_slice %arg14[%mul3A_125, %dma_start3A_128] : memref<10000x8xf32, #tpu.memory_space<vmem_shared>> -> memref<80x8xf32, #tpu.memory_space<vmem_shared>>
        tpu.enqueue_dma source(%arg12 : memref<80x8xf32, #tpu.memory_space<vmem>>) target(%dma_start3A_129 : memref<80x8xf32, #tpu.memory_space<vmem_shared>>) target_semaphore(%run_scoped3A : memref<!tpu.dma_semaphore, #tpu.memory_space<semaphore_mem>>)
        %dma_wait3A = arith.constant 0 : i32
        %dma_wait3A_130 = tpu.memref_slice %arg14[%mul3A_125, %dma_wait3A] : memref<10000x8xf32, #tpu.memory_space<vmem_shared>> -> memref<80x8xf32, #tpu.memory_space<vmem_shared>>
        %dma_wait3A_131 = arith.constant 0 : i32
        %dma_wait3A_132 = tpu.memref_slice %arg14[%mul3A_125, %dma_wait3A_131] : memref<10000x8xf32, #tpu.memory_space<vmem_shared>> -> memref<80x8xf32, #tpu.memory_space<vmem_shared>>
        tpu.wait_dma2 semaphore(%run_scoped3A : memref<!tpu.dma_semaphore, #tpu.memory_space<semaphore_mem>>) src(%arg12 : memref<80x8xf32, #tpu.memory_space<vmem>>) dst(%dma_wait3A_132 : memref<80x8xf32, #tpu.memory_space<vmem_shared>>)
        tpu.yield
      }) : () -> ()
    } else {
    }
    %barrier3A = arith.constant 0 : index
    tpu.barrier barrier_id(%barrier3A)
    %dma_start3A = arith.constant 0 : i32
    %dma_start3A_76 = arith.constant 0 : i32
    %dma_start3A_77 = tpu.memref_slice %arg8[%dma_start3A, %dma_start3A_76] : memref<125x80xi32, #tpu.memory_space<vmem>> -> memref<1x80xi32, #tpu.memory_space<vmem>>
    %dma_start3A_78 = tpu.memref_squeeze %dma_start3A_77 : memref<1x80xi32, #tpu.memory_space<vmem>> -> memref<80xi32, #tpu.memory_space<vmem>>
    %dma_start3A_79 = arith.constant 0 : i32
    %dma_start3A_80 = arith.constant 0 : i32
    %dma_start3A_81 = tpu.memref_slice %arg5[%arg0, %dma_start3A_79, %dma_start3A_80] : memref<2x10000x128xf32, #tpu.memory_space<hbm>> -> memref<1x10000x128xf32, #tpu.memory_space<hbm>>
    %dma_start3A_82 = tpu.memref_squeeze %dma_start3A_81 : memref<1x10000x128xf32, #tpu.memory_space<hbm>> -> memref<10000x128xf32, #tpu.memory_space<hbm>>
    %dma_start3A_83 = arith.constant 0 : i32
    %dma_start3A_84 = arith.constant 0 : i32
    %dma_start3A_85 = tpu.memref_slice %dma_start3A_82[%dma_start3A_83, %dma_start3A_84] : memref<10000x128xf32, #tpu.memory_space<hbm>> -> memref<10000x128xf32, #tpu.memory_space<hbm>>
    tpu.enqueue_indirect_dma source(%dma_start3A_85 : memref<10000x128xf32, #tpu.memory_space<hbm>>) target(%arg10 : memref<80x128xf32, #tpu.memory_space<vmem>>) offsets(%dma_start3A_78 : memref<80xi32, #tpu.memory_space<vmem>>) semaphore(%arg16 : memref<!tpu.dma_semaphore, #tpu.memory_space<semaphore_mem>>)
    %dma_start3A_86 = arith.constant 1 : i32
    %dma_start3A_87 = arith.constant 0 : i32
    %dma_start3A_88 = tpu.memref_slice %arg8[%dma_start3A_86, %dma_start3A_87] : memref<125x80xi32, #tpu.memory_space<vmem>> -> memref<1x80xi32, #tpu.memory_space<vmem>>
    %dma_start3A_89 = tpu.memref_squeeze %dma_start3A_88 : memref<1x80xi32, #tpu.memory_space<vmem>> -> memref<80xi32, #tpu.memory_space<vmem>>
    %dma_start3A_90 = arith.constant 0 : i32
    %dma_start3A_91 = arith.constant 0 : i32
    %dma_start3A_92 = tpu.memref_slice %arg5[%arg0, %dma_start3A_90, %dma_start3A_91] : memref<2x10000x128xf32, #tpu.memory_space<hbm>> -> memref<1x10000x128xf32, #tpu.memory_space<hbm>>
    %dma_start3A_93 = tpu.memref_squeeze %dma_start3A_92 : memref<1x10000x128xf32, #tpu.memory_space<hbm>> -> memref<10000x128xf32, #tpu.memory_space<hbm>>
    %dma_start3A_94 = arith.constant 0 : i32
    %dma_start3A_95 = arith.constant 0 : i32
    %dma_start3A_96 = tpu.memref_slice %dma_start3A_93[%dma_start3A_94, %dma_start3A_95] : memref<10000x128xf32, #tpu.memory_space<hbm>> -> memref<10000x128xf32, #tpu.memory_space<hbm>>
    tpu.enqueue_indirect_dma source(%dma_start3A_96 : memref<10000x128xf32, #tpu.memory_space<hbm>>) target(%arg11 : memref<80x128xf32, #tpu.memory_space<vmem>>) offsets(%dma_start3A_89 : memref<80xi32, #tpu.memory_space<vmem>>) semaphore(%arg17 : memref<!tpu.dma_semaphore, #tpu.memory_space<semaphore_mem>>)
    %dma_start3A_97 = arith.constant 0 : i32
    %dma_start3A_98 = tpu.memref_slice %arg8[%arg0, %dma_start3A_97] : memref<125x80xi32, #tpu.memory_space<vmem>> -> memref<1x80xi32, #tpu.memory_space<vmem>>
    %dma_start3A_99 = tpu.memref_squeeze %dma_start3A_98 : memref<1x80xi32, #tpu.memory_space<vmem>> -> memref<80xi32, #tpu.memory_space<vmem>>
    %dma_start3A_100 = arith.constant 0 : i32
    %dma_start3A_101 = arith.constant 0 : i32
    %dma_start3A_102 = tpu.memref_slice %arg4[%dma_start3A_100, %dma_start3A_101] : memref<10000x8xf32, #tpu.memory_space<hbm>> -> memref<10000x8xf32, #tpu.memory_space<hbm>>
    tpu.enqueue_indirect_dma source(%dma_start3A_102 : memref<10000x8xf32, #tpu.memory_space<hbm>>) target(%arg12 : memref<80x8xf32, #tpu.memory_space<vmem>>) offsets(%dma_start3A_99 : memref<80xi32, #tpu.memory_space<vmem>>) semaphore(%arg18 : memref<!tpu.dma_semaphore, #tpu.memory_space<semaphore_mem>>)
    %add3A_103 = arith.constant 2 : i32
    %add3A_104 = arith.addi %arg0, %add3A_103 : i32
    %lt3A_105 = arith.constant 125 : i32
    %lt3A_106 = arith.cmpi slt, %add3A_104, %lt3A_105 : i32
    %convert_element_type3A_107 = arith.extui %lt3A_106 : i1 to i32
    %cond3A_108 = arith.constant 0 : i32
    %cond3A_109 = arith.cmpi ne, %convert_element_type3A_107, %cond3A_108 : i32
    scf.if %cond3A_109 {
      %add3A_122 = arith.constant 2 : i32
      %add3A_123 = arith.addi %arg0, %add3A_122 : i32
      %dma_start3A_124 = arith.constant 0 : i32
      %dma_start3A_125 = tpu.memref_slice %arg8[%add3A_123, %dma_start3A_124] : memref<125x80xi32, #tpu.memory_space<vmem>> -> memref<1x80xi32, #tpu.memory_space<vmem>>
      %dma_start3A_126 = tpu.memref_squeeze %dma_start3A_125 : memref<1x80xi32, #tpu.memory_space<vmem>> -> memref<80xi32, #tpu.memory_space<vmem>>
      %dma_start3A_127 = arith.constant 0 : i32
      %dma_start3A_128 = arith.constant 0 : i32
      %dma_start3A_129 = tpu.memref_slice %arg4[%dma_start3A_127, %dma_start3A_128] : memref<10000x8xf32, #tpu.memory_space<hbm>> -> memref<10000x8xf32, #tpu.memory_space<hbm>>
      tpu.enqueue_indirect_dma source(%dma_start3A_129 : memref<10000x8xf32, #tpu.memory_space<hbm>>) target(%arg13 : memref<80x8xf32, #tpu.memory_space<vmem>>) offsets(%dma_start3A_126 : memref<80xi32, #tpu.memory_space<vmem>>) semaphore(%arg19 : memref<!tpu.dma_semaphore, #tpu.memory_space<semaphore_mem>>)
    } else {
    }
    %scan3A_110 = arith.constant 0 : i32
    %scan3A_111 = arith.constant 0 : i32
    %scan3A_112 = arith.constant 32 : i32
    %scan3A_113 = arith.addi %scan3A_111, %scan3A_112 : i32
    %scan3A_114 = arith.constant 1 : i32
    scf.for %scan3A_122 = %scan3A_111 to %scan3A_113 step %scan3A_114  : i32 {
      %mul3A_123 = arith.constant 4 : i32
      %mul3A_124 = arith.muli %scan3A_122, %mul3A_123 : i32
      %add3A_125 = arith.constant 0 : i32
      %add3A_126 = arith.addi %mul3A_124, %add3A_125 : i32
      %lt3A_127 = arith.constant 125 : i32
      %lt3A_128 = arith.cmpi slt, %add3A_126, %lt3A_127 : i32
      %convert_element_type3A_129 = arith.extui %lt3A_128 : i1 to i32
      %cond3A_130 = arith.constant 0 : i32
      %cond3A_131 = arith.cmpi ne, %convert_element_type3A_129, %cond3A_130 : i32
      scf.if %cond3A_131 {
        %dma_wait3A = arith.constant 0 : i32
        %dma_wait3A_179 = tpu.memref_slice %arg8[%add3A_126, %dma_wait3A] : memref<125x80xi32, #tpu.memory_space<vmem>> -> memref<1x80xi32, #tpu.memory_space<vmem>>
        %dma_wait3A_180 = tpu.memref_squeeze %dma_wait3A_179 : memref<1x80xi32, #tpu.memory_space<vmem>> -> memref<80xi32, #tpu.memory_space<vmem>>
        %dma_wait3A_181 = arith.constant 0 : i32
        %dma_wait3A_182 = arith.constant 0 : i32
        %dma_wait3A_183 = tpu.memref_slice %arg5[%arg0, %dma_wait3A_181, %dma_wait3A_182] : memref<2x10000x128xf32, #tpu.memory_space<hbm>> -> memref<1x10000x128xf32, #tpu.memory_space<hbm>>
        %dma_wait3A_184 = tpu.memref_squeeze %dma_wait3A_183 : memref<1x10000x128xf32, #tpu.memory_space<hbm>> -> memref<10000x128xf32, #tpu.memory_space<hbm>>
        %dma_wait3A_185 = arith.constant 0 : i32
        %dma_wait3A_186 = arith.constant 0 : i32
        %dma_wait3A_187 = tpu.memref_slice %dma_wait3A_184[%dma_wait3A_185, %dma_wait3A_186] : memref<10000x128xf32, #tpu.memory_space<hbm>> -> memref<10000x128xf32, #tpu.memory_space<hbm>>
        tpu.wait_indirect_dma semaphore(%arg16 : memref<!tpu.dma_semaphore, #tpu.memory_space<semaphore_mem>>) src(%dma_wait3A_187 : memref<10000x128xf32, #tpu.memory_space<hbm>>) dst(%arg10 : memref<80x128xf32, #tpu.memory_space<vmem>>)
        "tpu.region"() ({
          %run_scoped3A = tpu.sem_alloc : memref<!tpu.dma_semaphore, #tpu.memory_space<semaphore_mem>>
          %dma_start3A_195 = arith.constant 0 : i32
          %dma_start3A_196 = tpu.memref_slice %arg9[%add3A_126, %dma_start3A_195] : memref<125x80xi32, #tpu.memory_space<vmem>> -> memref<1x80xi32, #tpu.memory_space<vmem>>
          %dma_start3A_197 = tpu.memref_squeeze %dma_start3A_196 : memref<1x80xi32, #tpu.memory_space<vmem>> -> memref<80xi32, #tpu.memory_space<vmem>>
          %dma_start3A_198 = arith.constant 0 : i32
          %dma_start3A_199 = arith.constant 0 : i32
          %dma_start3A_200 = tpu.memref_slice %arg15[%dma_start3A_198, %dma_start3A_199] : memref<10000x128xf32, #tpu.memory_space<vmem_shared>> -> memref<10000x128xf32, #tpu.memory_space<vmem_shared>>
          tpu.enqueue_indirect_dma source(%arg10 : memref<80x128xf32, #tpu.memory_space<vmem>>) target(%dma_start3A_200 : memref<10000x128xf32, #tpu.memory_space<vmem_shared>>) offsets(%dma_start3A_197 : memref<80xi32, #tpu.memory_space<vmem>>) semaphore(%run_scoped3A : memref<!tpu.dma_semaphore, #tpu.memory_space<semaphore_mem>>) {add = true}
          %dma_wait3A_201 = arith.constant 0 : i32
          %dma_wait3A_202 = tpu.memref_slice %arg9[%add3A_126, %dma_wait3A_201] : memref<125x80xi32, #tpu.memory_space<vmem>> -> memref<1x80xi32, #tpu.memory_space<vmem>>
          %dma_wait3A_203 = tpu.memref_squeeze %dma_wait3A_202 : memref<1x80xi32, #tpu.memory_space<vmem>> -> memref<80xi32, #tpu.memory_space<vmem>>
          %dma_wait3A_204 = arith.constant 0 : i32
          %dma_wait3A_205 = arith.constant 0 : i32
          %dma_wait3A_206 = tpu.memref_slice %arg15[%dma_wait3A_204, %dma_wait3A_205] : memref<10000x128xf32, #tpu.memory_space<vmem_shared>> -> memref<10000x128xf32, #tpu.memory_space<vmem_shared>>
          tpu.wait_indirect_dma semaphore(%run_scoped3A : memref<!tpu.dma_semaphore, #tpu.memory_space<semaphore_mem>>) src(%arg10 : memref<80x128xf32, #tpu.memory_space<vmem>>) dst(%dma_wait3A_206 : memref<10000x128xf32, #tpu.memory_space<vmem_shared>>)
          tpu.yield
        }) : () -> ()
        %add3A_188 = arith.constant 2 : i32
        %add3A_189 = arith.addi %add3A_126, %add3A_188 : i32
        %lt3A_190 = arith.constant 125 : i32
        %lt3A_191 = arith.cmpi slt, %add3A_189, %lt3A_190 : i32
        %convert_element_type3A_192 = arith.extui %lt3A_191 : i1 to i32
        %cond3A_193 = arith.constant 0 : i32
        %cond3A_194 = arith.cmpi ne, %convert_element_type3A_192, %cond3A_193 : i32
        scf.if %cond3A_194 {
          %add3A_195 = arith.constant 2 : i32
          %add3A_196 = arith.addi %add3A_126, %add3A_195 : i32
          %dma_start3A_197 = arith.constant 0 : i32
          %dma_start3A_198 = tpu.memref_slice %arg8[%add3A_196, %dma_start3A_197] : memref<125x80xi32, #tpu.memory_space<vmem>> -> memref<1x80xi32, #tpu.memory_space<vmem>>
          %dma_start3A_199 = tpu.memref_squeeze %dma_start3A_198 : memref<1x80xi32, #tpu.memory_space<vmem>> -> memref<80xi32, #tpu.memory_space<vmem>>
          %dma_start3A_200 = arith.constant 0 : i32
          %dma_start3A_201 = arith.constant 0 : i32
          %dma_start3A_202 = tpu.memref_slice %arg5[%arg0, %dma_start3A_200, %dma_start3A_201] : memref<2x10000x128xf32, #tpu.memory_space<hbm>> -> memref<1x10000x128xf32, #tpu.memory_space<hbm>>
          %dma_start3A_203 = tpu.memref_squeeze %dma_start3A_202 : memref<1x10000x128xf32, #tpu.memory_space<hbm>> -> memref<10000x128xf32, #tpu.memory_space<hbm>>
          %dma_start3A_204 = arith.constant 0 : i32
          %dma_start3A_205 = arith.constant 0 : i32
          %dma_start3A_206 = tpu.memref_slice %dma_start3A_203[%dma_start3A_204, %dma_start3A_205] : memref<10000x128xf32, #tpu.memory_space<hbm>> -> memref<10000x128xf32, #tpu.memory_space<hbm>>
          tpu.enqueue_indirect_dma source(%dma_start3A_206 : memref<10000x128xf32, #tpu.memory_space<hbm>>) target(%arg10 : memref<80x128xf32, #tpu.memory_space<vmem>>) offsets(%dma_start3A_199 : memref<80xi32, #tpu.memory_space<vmem>>) semaphore(%arg16 : memref<!tpu.dma_semaphore, #tpu.memory_space<semaphore_mem>>)
        } else {
        }
      } else {
      }
      %mul3A_132 = arith.constant 4 : i32
      %mul3A_133 = arith.muli %scan3A_122, %mul3A_132 : i32
      %add3A_134 = arith.constant 0 : i32
      %add3A_135 = arith.addi %mul3A_133, %add3A_134 : i32
      %add3A_136 = arith.addi %add3A_135, %arg0 : i32
      %lt3A_137 = arith.constant 125 : i32
      %lt3A_138 = arith.cmpi slt, %add3A_136, %lt3A_137 : i32
      %convert_element_type3A_139 = arith.extui %lt3A_138 : i1 to i32
      %cond3A_140 = arith.constant 0 : i32
      %cond3A_141 = arith.cmpi ne, %convert_element_type3A_139, %cond3A_140 : i32
      scf.if %cond3A_141 {
        %dma_wait3A = arith.constant 0 : i32
        %dma_wait3A_179 = tpu.memref_slice %arg8[%add3A_136, %dma_wait3A] : memref<125x80xi32, #tpu.memory_space<vmem>> -> memref<1x80xi32, #tpu.memory_space<vmem>>
        %dma_wait3A_180 = tpu.memref_squeeze %dma_wait3A_179 : memref<1x80xi32, #tpu.memory_space<vmem>> -> memref<80xi32, #tpu.memory_space<vmem>>
        %dma_wait3A_181 = arith.constant 0 : i32
        %dma_wait3A_182 = arith.constant 0 : i32
        %dma_wait3A_183 = tpu.memref_slice %arg4[%dma_wait3A_181, %dma_wait3A_182] : memref<10000x8xf32, #tpu.memory_space<hbm>> -> memref<10000x8xf32, #tpu.memory_space<hbm>>
        tpu.wait_indirect_dma semaphore(%arg18 : memref<!tpu.dma_semaphore, #tpu.memory_space<semaphore_mem>>) src(%dma_wait3A_183 : memref<10000x8xf32, #tpu.memory_space<hbm>>) dst(%arg12 : memref<80x8xf32, #tpu.memory_space<vmem>>)
        "tpu.region"() ({
          %run_scoped3A = tpu.sem_alloc : memref<!tpu.dma_semaphore, #tpu.memory_space<semaphore_mem>>
          %dma_start3A_191 = arith.constant 0 : i32
          %dma_start3A_192 = tpu.memref_slice %arg9[%add3A_136, %dma_start3A_191] : memref<125x80xi32, #tpu.memory_space<vmem>> -> memref<1x80xi32, #tpu.memory_space<vmem>>
          %dma_start3A_193 = tpu.memref_squeeze %dma_start3A_192 : memref<1x80xi32, #tpu.memory_space<vmem>> -> memref<80xi32, #tpu.memory_space<vmem>>
          %dma_start3A_194 = arith.constant 0 : i32
          %dma_start3A_195 = arith.constant 0 : i32
          %dma_start3A_196 = tpu.memref_slice %arg14[%dma_start3A_194, %dma_start3A_195] : memref<10000x8xf32, #tpu.memory_space<vmem_shared>> -> memref<10000x8xf32, #tpu.memory_space<vmem_shared>>
          tpu.enqueue_indirect_dma source(%arg12 : memref<80x8xf32, #tpu.memory_space<vmem>>) target(%dma_start3A_196 : memref<10000x8xf32, #tpu.memory_space<vmem_shared>>) offsets(%dma_start3A_193 : memref<80xi32, #tpu.memory_space<vmem>>) semaphore(%run_scoped3A : memref<!tpu.dma_semaphore, #tpu.memory_space<semaphore_mem>>) {add = true}
          %dma_wait3A_197 = arith.constant 0 : i32
          %dma_wait3A_198 = tpu.memref_slice %arg9[%add3A_136, %dma_wait3A_197] : memref<125x80xi32, #tpu.memory_space<vmem>> -> memref<1x80xi32, #tpu.memory_space<vmem>>
          %dma_wait3A_199 = tpu.memref_squeeze %dma_wait3A_198 : memref<1x80xi32, #tpu.memory_space<vmem>> -> memref<80xi32, #tpu.memory_space<vmem>>
          %dma_wait3A_200 = arith.constant 0 : i32
          %dma_wait3A_201 = arith.constant 0 : i32
          %dma_wait3A_202 = tpu.memref_slice %arg14[%dma_wait3A_200, %dma_wait3A_201] : memref<10000x8xf32, #tpu.memory_space<vmem_shared>> -> memref<10000x8xf32, #tpu.memory_space<vmem_shared>>
          tpu.wait_indirect_dma semaphore(%run_scoped3A : memref<!tpu.dma_semaphore, #tpu.memory_space<semaphore_mem>>) src(%arg12 : memref<80x8xf32, #tpu.memory_space<vmem>>) dst(%dma_wait3A_202 : memref<10000x8xf32, #tpu.memory_space<vmem_shared>>)
          tpu.yield
        }) : () -> ()
        %add3A_184 = arith.constant 4 : i32
        %add3A_185 = arith.addi %add3A_136, %add3A_184 : i32
        %lt3A_186 = arith.constant 125 : i32
        %lt3A_187 = arith.cmpi slt, %add3A_185, %lt3A_186 : i32
        %convert_element_type3A_188 = arith.extui %lt3A_187 : i1 to i32
        %cond3A_189 = arith.constant 0 : i32
        %cond3A_190 = arith.cmpi ne, %convert_element_type3A_188, %cond3A_189 : i32
        scf.if %cond3A_190 {
          %add3A_191 = arith.constant 4 : i32
          %add3A_192 = arith.addi %add3A_136, %add3A_191 : i32
          %dma_start3A_193 = arith.constant 0 : i32
          %dma_start3A_194 = tpu.memref_slice %arg8[%add3A_192, %dma_start3A_193] : memref<125x80xi32, #tpu.memory_space<vmem>> -> memref<1x80xi32, #tpu.memory_space<vmem>>
          %dma_start3A_195 = tpu.memref_squeeze %dma_start3A_194 : memref<1x80xi32, #tpu.memory_space<vmem>> -> memref<80xi32, #tpu.memory_space<vmem>>
          %dma_start3A_196 = arith.constant 0 : i32
          %dma_start3A_197 = arith.constant 0 : i32
          %dma_start3A_198 = tpu.memref_slice %arg4[%dma_start3A_196, %dma_start3A_197] : memref<10000x8xf32, #tpu.memory_space<hbm>> -> memref<10000x8xf32, #tpu.memory_space<hbm>>
          tpu.enqueue_indirect_dma source(%dma_start3A_198 : memref<10000x8xf32, #tpu.memory_space<hbm>>) target(%arg12 : memref<80x8xf32, #tpu.memory_space<vmem>>) offsets(%dma_start3A_195 : memref<80xi32, #tpu.memory_space<vmem>>) semaphore(%arg18 : memref<!tpu.dma_semaphore, #tpu.memory_space<semaphore_mem>>)
        } else {
        }
      } else {
      }
      %mul3A_142 = arith.constant 4 : i32
      %mul3A_143 = arith.muli %scan3A_122, %mul3A_142 : i32
      %add3A_144 = arith.constant 1 : i32
      %add3A_145 = arith.addi %mul3A_143, %add3A_144 : i32
      %lt3A_146 = arith.constant 125 : i32
      %lt3A_147 = arith.cmpi slt, %add3A_145, %lt3A_146 : i32
      %convert_element_type3A_148 = arith.extui %lt3A_147 : i1 to i32
      %cond3A_149 = arith.constant 0 : i32
      %cond3A_150 = arith.cmpi ne, %convert_element_type3A_148, %cond3A_149 : i32
      scf.if %cond3A_150 {
        %dma_wait3A = arith.constant 0 : i32
        %dma_wait3A_179 = tpu.memref_slice %arg8[%add3A_145, %dma_wait3A] : memref<125x80xi32, #tpu.memory_space<vmem>> -> memref<1x80xi32, #tpu.memory_space<vmem>>
        %dma_wait3A_180 = tpu.memref_squeeze %dma_wait3A_179 : memref<1x80xi32, #tpu.memory_space<vmem>> -> memref<80xi32, #tpu.memory_space<vmem>>
        %dma_wait3A_181 = arith.constant 0 : i32
        %dma_wait3A_182 = arith.constant 0 : i32
        %dma_wait3A_183 = tpu.memref_slice %arg5[%arg0, %dma_wait3A_181, %dma_wait3A_182] : memref<2x10000x128xf32, #tpu.memory_space<hbm>> -> memref<1x10000x128xf32, #tpu.memory_space<hbm>>
        %dma_wait3A_184 = tpu.memref_squeeze %dma_wait3A_183 : memref<1x10000x128xf32, #tpu.memory_space<hbm>> -> memref<10000x128xf32, #tpu.memory_space<hbm>>
        %dma_wait3A_185 = arith.constant 0 : i32
        %dma_wait3A_186 = arith.constant 0 : i32
        %dma_wait3A_187 = tpu.memref_slice %dma_wait3A_184[%dma_wait3A_185, %dma_wait3A_186] : memref<10000x128xf32, #tpu.memory_space<hbm>> -> memref<10000x128xf32, #tpu.memory_space<hbm>>
        tpu.wait_indirect_dma semaphore(%arg17 : memref<!tpu.dma_semaphore, #tpu.memory_space<semaphore_mem>>) src(%dma_wait3A_187 : memref<10000x128xf32, #tpu.memory_space<hbm>>) dst(%arg11 : memref<80x128xf32, #tpu.memory_space<vmem>>)
        "tpu.region"() ({
          %run_scoped3A = tpu.sem_alloc : memref<!tpu.dma_semaphore, #tpu.memory_space<semaphore_mem>>
          %dma_start3A_195 = arith.constant 0 : i32
          %dma_start3A_196 = tpu.memref_slice %arg9[%add3A_145, %dma_start3A_195] : memref<125x80xi32, #tpu.memory_space<vmem>> -> memref<1x80xi32, #tpu.memory_space<vmem>>
          %dma_start3A_197 = tpu.memref_squeeze %dma_start3A_196 : memref<1x80xi32, #tpu.memory_space<vmem>> -> memref<80xi32, #tpu.memory_space<vmem>>
          %dma_start3A_198 = arith.constant 0 : i32
          %dma_start3A_199 = arith.constant 0 : i32
          %dma_start3A_200 = tpu.memref_slice %arg15[%dma_start3A_198, %dma_start3A_199] : memref<10000x128xf32, #tpu.memory_space<vmem_shared>> -> memref<10000x128xf32, #tpu.memory_space<vmem_shared>>
          tpu.enqueue_indirect_dma source(%arg11 : memref<80x128xf32, #tpu.memory_space<vmem>>) target(%dma_start3A_200 : memref<10000x128xf32, #tpu.memory_space<vmem_shared>>) offsets(%dma_start3A_197 : memref<80xi32, #tpu.memory_space<vmem>>) semaphore(%run_scoped3A : memref<!tpu.dma_semaphore, #tpu.memory_space<semaphore_mem>>) {add = true}
          %dma_wait3A_201 = arith.constant 0 : i32
          %dma_wait3A_202 = tpu.memref_slice %arg9[%add3A_145, %dma_wait3A_201] : memref<125x80xi32, #tpu.memory_space<vmem>> -> memref<1x80xi32, #tpu.memory_space<vmem>>
          %dma_wait3A_203 = tpu.memref_squeeze %dma_wait3A_202 : memref<1x80xi32, #tpu.memory_space<vmem>> -> memref<80xi32, #tpu.memory_space<vmem>>
          %dma_wait3A_204 = arith.constant 0 : i32
          %dma_wait3A_205 = arith.constant 0 : i32
          %dma_wait3A_206 = tpu.memref_slice %arg15[%dma_wait3A_204, %dma_wait3A_205] : memref<10000x128xf32, #tpu.memory_space<vmem_shared>> -> memref<10000x128xf32, #tpu.memory_space<vmem_shared>>
          tpu.wait_indirect_dma semaphore(%run_scoped3A : memref<!tpu.dma_semaphore, #tpu.memory_space<semaphore_mem>>) src(%arg11 : memref<80x128xf32, #tpu.memory_space<vmem>>) dst(%dma_wait3A_206 : memref<10000x128xf32, #tpu.memory_space<vmem_shared>>)
          tpu.yield
        }) : () -> ()
        %add3A_188 = arith.constant 2 : i32
        %add3A_189 = arith.addi %add3A_145, %add3A_188 : i32
        %lt3A_190 = arith.constant 125 : i32
        %lt3A_191 = arith.cmpi slt, %add3A_189, %lt3A_190 : i32
        %convert_element_type3A_192 = arith.extui %lt3A_191 : i1 to i32
        %cond3A_193 = arith.constant 0 : i32
        %cond3A_194 = arith.cmpi ne, %convert_element_type3A_192, %cond3A_193 : i32
        scf.if %cond3A_194 {
          %add3A_195 = arith.constant 2 : i32
          %add3A_196 = arith.addi %add3A_145, %add3A_195 : i32
          %dma_start3A_197 = arith.constant 0 : i32
          %dma_start3A_198 = tpu.memref_slice %arg8[%add3A_196, %dma_start3A_197] : memref<125x80xi32, #tpu.memory_space<vmem>> -> memref<1x80xi32, #tpu.memory_space<vmem>>
          %dma_start3A_199 = tpu.memref_squeeze %dma_start3A_198 : memref<1x80xi32, #tpu.memory_space<vmem>> -> memref<80xi32, #tpu.memory_space<vmem>>
          %dma_start3A_200 = arith.constant 0 : i32
          %dma_start3A_201 = arith.constant 0 : i32
          %dma_start3A_202 = tpu.memref_slice %arg5[%arg0, %dma_start3A_200, %dma_start3A_201] : memref<2x10000x128xf32, #tpu.memory_space<hbm>> -> memref<1x10000x128xf32, #tpu.memory_space<hbm>>
          %dma_start3A_203 = tpu.memref_squeeze %dma_start3A_202 : memref<1x10000x128xf32, #tpu.memory_space<hbm>> -> memref<10000x128xf32, #tpu.memory_space<hbm>>
          %dma_start3A_204 = arith.constant 0 : i32
          %dma_start3A_205 = arith.constant 0 : i32
          %dma_start3A_206 = tpu.memref_slice %dma_start3A_203[%dma_start3A_204, %dma_start3A_205] : memref<10000x128xf32, #tpu.memory_space<hbm>> -> memref<10000x128xf32, #tpu.memory_space<hbm>>
          tpu.enqueue_indirect_dma source(%dma_start3A_206 : memref<10000x128xf32, #tpu.memory_space<hbm>>) target(%arg11 : memref<80x128xf32, #tpu.memory_space<vmem>>) offsets(%dma_start3A_199 : memref<80xi32, #tpu.memory_space<vmem>>) semaphore(%arg17 : memref<!tpu.dma_semaphore, #tpu.memory_space<semaphore_mem>>)
        } else {
        }
      } else {
      }
      %mul3A_151 = arith.constant 4 : i32
      %mul3A_152 = arith.muli %scan3A_122, %mul3A_151 : i32
      %add3A_153 = arith.constant 2 : i32
      %add3A_154 = arith.addi %mul3A_152, %add3A_153 : i32
      %add3A_155 = arith.addi %add3A_154, %arg0 : i32
      %lt3A_156 = arith.constant 125 : i32
      %lt3A_157 = arith.cmpi slt, %add3A_155, %lt3A_156 : i32
      %convert_element_type3A_158 = arith.extui %lt3A_157 : i1 to i32
      %cond3A_159 = arith.constant 0 : i32
      %cond3A_160 = arith.cmpi ne, %convert_element_type3A_158, %cond3A_159 : i32
      scf.if %cond3A_160 {
        %dma_wait3A = arith.constant 0 : i32
        %dma_wait3A_179 = tpu.memref_slice %arg8[%add3A_155, %dma_wait3A] : memref<125x80xi32, #tpu.memory_space<vmem>> -> memref<1x80xi32, #tpu.memory_space<vmem>>
        %dma_wait3A_180 = tpu.memref_squeeze %dma_wait3A_179 : memref<1x80xi32, #tpu.memory_space<vmem>> -> memref<80xi32, #tpu.memory_space<vmem>>
        %dma_wait3A_181 = arith.constant 0 : i32
        %dma_wait3A_182 = arith.constant 0 : i32
        %dma_wait3A_183 = tpu.memref_slice %arg4[%dma_wait3A_181, %dma_wait3A_182] : memref<10000x8xf32, #tpu.memory_space<hbm>> -> memref<10000x8xf32, #tpu.memory_space<hbm>>
        tpu.wait_indirect_dma semaphore(%arg19 : memref<!tpu.dma_semaphore, #tpu.memory_space<semaphore_mem>>) src(%dma_wait3A_183 : memref<10000x8xf32, #tpu.memory_space<hbm>>) dst(%arg13 : memref<80x8xf32, #tpu.memory_space<vmem>>)
        "tpu.region"() ({
          %run_scoped3A = tpu.sem_alloc : memref<!tpu.dma_semaphore, #tpu.memory_space<semaphore_mem>>
          %dma_start3A_191 = arith.constant 0 : i32
          %dma_start3A_192 = tpu.memref_slice %arg9[%add3A_155, %dma_start3A_191] : memref<125x80xi32, #tpu.memory_space<vmem>> -> memref<1x80xi32, #tpu.memory_space<vmem>>
          %dma_start3A_193 = tpu.memref_squeeze %dma_start3A_192 : memref<1x80xi32, #tpu.memory_space<vmem>> -> memref<80xi32, #tpu.memory_space<vmem>>
          %dma_start3A_194 = arith.constant 0 : i32
          %dma_start3A_195 = arith.constant 0 : i32
          %dma_start3A_196 = tpu.memref_slice %arg14[%dma_start3A_194, %dma_start3A_195] : memref<10000x8xf32, #tpu.memory_space<vmem_shared>> -> memref<10000x8xf32, #tpu.memory_space<vmem_shared>>
          tpu.enqueue_indirect_dma source(%arg13 : memref<80x8xf32, #tpu.memory_space<vmem>>) target(%dma_start3A_196 : memref<10000x8xf32, #tpu.memory_space<vmem_shared>>) offsets(%dma_start3A_193 : memref<80xi32, #tpu.memory_space<vmem>>) semaphore(%run_scoped3A : memref<!tpu.dma_semaphore, #tpu.memory_space<semaphore_mem>>) {add = true}
          %dma_wait3A_197 = arith.constant 0 : i32
          %dma_wait3A_198 = tpu.memref_slice %arg9[%add3A_155, %dma_wait3A_197] : memref<125x80xi32, #tpu.memory_space<vmem>> -> memref<1x80xi32, #tpu.memory_space<vmem>>
          %dma_wait3A_199 = tpu.memref_squeeze %dma_wait3A_198 : memref<1x80xi32, #tpu.memory_space<vmem>> -> memref<80xi32, #tpu.memory_space<vmem>>
          %dma_wait3A_200 = arith.constant 0 : i32
          %dma_wait3A_201 = arith.constant 0 : i32
          %dma_wait3A_202 = tpu.memref_slice %arg14[%dma_wait3A_200, %dma_wait3A_201] : memref<10000x8xf32, #tpu.memory_space<vmem_shared>> -> memref<10000x8xf32, #tpu.memory_space<vmem_shared>>
          tpu.wait_indirect_dma semaphore(%run_scoped3A : memref<!tpu.dma_semaphore, #tpu.memory_space<semaphore_mem>>) src(%arg13 : memref<80x8xf32, #tpu.memory_space<vmem>>) dst(%dma_wait3A_202 : memref<10000x8xf32, #tpu.memory_space<vmem_shared>>)
          tpu.yield
        }) : () -> ()
        %add3A_184 = arith.constant 4 : i32
        %add3A_185 = arith.addi %add3A_155, %add3A_184 : i32
        %lt3A_186 = arith.constant 125 : i32
        %lt3A_187 = arith.cmpi slt, %add3A_185, %lt3A_186 : i32
        %convert_element_type3A_188 = arith.extui %lt3A_187 : i1 to i32
        %cond3A_189 = arith.constant 0 : i32
        %cond3A_190 = arith.cmpi ne, %convert_element_type3A_188, %cond3A_189 : i32
        scf.if %cond3A_190 {
          %add3A_191 = arith.constant 4 : i32
          %add3A_192 = arith.addi %add3A_155, %add3A_191 : i32
          %dma_start3A_193 = arith.constant 0 : i32
          %dma_start3A_194 = tpu.memref_slice %arg8[%add3A_192, %dma_start3A_193] : memref<125x80xi32, #tpu.memory_space<vmem>> -> memref<1x80xi32, #tpu.memory_space<vmem>>
          %dma_start3A_195 = tpu.memref_squeeze %dma_start3A_194 : memref<1x80xi32, #tpu.memory_space<vmem>> -> memref<80xi32, #tpu.memory_space<vmem>>
          %dma_start3A_196 = arith.constant 0 : i32
          %dma_start3A_197 = arith.constant 0 : i32
          %dma_start3A_198 = tpu.memref_slice %arg4[%dma_start3A_196, %dma_start3A_197] : memref<10000x8xf32, #tpu.memory_space<hbm>> -> memref<10000x8xf32, #tpu.memory_space<hbm>>
          tpu.enqueue_indirect_dma source(%dma_start3A_198 : memref<10000x8xf32, #tpu.memory_space<hbm>>) target(%arg13 : memref<80x8xf32, #tpu.memory_space<vmem>>) offsets(%dma_start3A_195 : memref<80xi32, #tpu.memory_space<vmem>>) semaphore(%arg19 : memref<!tpu.dma_semaphore, #tpu.memory_space<semaphore_mem>>)
        } else {
        }
      } else {
      }
      %mul3A_161 = arith.constant 4 : i32
      %mul3A_162 = arith.muli %scan3A_122, %mul3A_161 : i32
      %add3A_163 = arith.constant 2 : i32
      %add3A_164 = arith.addi %mul3A_162, %add3A_163 : i32
      %lt3A_165 = arith.constant 125 : i32
      %lt3A_166 = arith.cmpi slt, %add3A_164, %lt3A_165 : i32
      %convert_element_type3A_167 = arith.extui %lt3A_166 : i1 to i32
      %cond3A_168 = arith.constant 0 : i32
      %cond3A_169 = arith.cmpi ne, %convert_element_type3A_167, %cond3A_168 : i32
      scf.if %cond3A_169 {
        %dma_wait3A = arith.constant 0 : i32
        %dma_wait3A_179 = tpu.memref_slice %arg8[%add3A_164, %dma_wait3A] : memref<125x80xi32, #tpu.memory_space<vmem>> -> memref<1x80xi32, #tpu.memory_space<vmem>>
        %dma_wait3A_180 = tpu.memref_squeeze %dma_wait3A_179 : memref<1x80xi32, #tpu.memory_space<vmem>> -> memref<80xi32, #tpu.memory_space<vmem>>
        %dma_wait3A_181 = arith.constant 0 : i32
        %dma_wait3A_182 = arith.constant 0 : i32
        %dma_wait3A_183 = tpu.memref_slice %arg5[%arg0, %dma_wait3A_181, %dma_wait3A_182] : memref<2x10000x128xf32, #tpu.memory_space<hbm>> -> memref<1x10000x128xf32, #tpu.memory_space<hbm>>
        %dma_wait3A_184 = tpu.memref_squeeze %dma_wait3A_183 : memref<1x10000x128xf32, #tpu.memory_space<hbm>> -> memref<10000x128xf32, #tpu.memory_space<hbm>>
        %dma_wait3A_185 = arith.constant 0 : i32
        %dma_wait3A_186 = arith.constant 0 : i32
        %dma_wait3A_187 = tpu.memref_slice %dma_wait3A_184[%dma_wait3A_185, %dma_wait3A_186] : memref<10000x128xf32, #tpu.memory_space<hbm>> -> memref<10000x128xf32, #tpu.memory_space<hbm>>
        tpu.wait_indirect_dma semaphore(%arg16 : memref<!tpu.dma_semaphore, #tpu.memory_space<semaphore_mem>>) src(%dma_wait3A_187 : memref<10000x128xf32, #tpu.memory_space<hbm>>) dst(%arg10 : memref<80x128xf32, #tpu.memory_space<vmem>>)
        "tpu.region"() ({
          %run_scoped3A = tpu.sem_alloc : memref<!tpu.dma_semaphore, #tpu.memory_space<semaphore_mem>>
          %dma_start3A_195 = arith.constant 0 : i32
          %dma_start3A_196 = tpu.memref_slice %arg9[%add3A_164, %dma_start3A_195] : memref<125x80xi32, #tpu.memory_space<vmem>> -> memref<1x80xi32, #tpu.memory_space<vmem>>
          %dma_start3A_197 = tpu.memref_squeeze %dma_start3A_196 : memref<1x80xi32, #tpu.memory_space<vmem>> -> memref<80xi32, #tpu.memory_space<vmem>>
          %dma_start3A_198 = arith.constant 0 : i32
          %dma_start3A_199 = arith.constant 0 : i32
          %dma_start3A_200 = tpu.memref_slice %arg15[%dma_start3A_198, %dma_start3A_199] : memref<10000x128xf32, #tpu.memory_space<vmem_shared>> -> memref<10000x128xf32, #tpu.memory_space<vmem_shared>>
          tpu.enqueue_indirect_dma source(%arg10 : memref<80x128xf32, #tpu.memory_space<vmem>>) target(%dma_start3A_200 : memref<10000x128xf32, #tpu.memory_space<vmem_shared>>) offsets(%dma_start3A_197 : memref<80xi32, #tpu.memory_space<vmem>>) semaphore(%run_scoped3A : memref<!tpu.dma_semaphore, #tpu.memory_space<semaphore_mem>>) {add = true}
          %dma_wait3A_201 = arith.constant 0 : i32
          %dma_wait3A_202 = tpu.memref_slice %arg9[%add3A_164, %dma_wait3A_201] : memref<125x80xi32, #tpu.memory_space<vmem>> -> memref<1x80xi32, #tpu.memory_space<vmem>>
          %dma_wait3A_203 = tpu.memref_squeeze %dma_wait3A_202 : memref<1x80xi32, #tpu.memory_space<vmem>> -> memref<80xi32, #tpu.memory_space<vmem>>
          %dma_wait3A_204 = arith.constant 0 : i32
          %dma_wait3A_205 = arith.constant 0 : i32
          %dma_wait3A_206 = tpu.memref_slice %arg15[%dma_wait3A_204, %dma_wait3A_205] : memref<10000x128xf32, #tpu.memory_space<vmem_shared>> -> memref<10000x128xf32, #tpu.memory_space<vmem_shared>>
          tpu.wait_indirect_dma semaphore(%run_scoped3A : memref<!tpu.dma_semaphore, #tpu.memory_space<semaphore_mem>>) src(%arg10 : memref<80x128xf32, #tpu.memory_space<vmem>>) dst(%dma_wait3A_206 : memref<10000x128xf32, #tpu.memory_space<vmem_shared>>)
          tpu.yield
        }) : () -> ()
        %add3A_188 = arith.constant 2 : i32
        %add3A_189 = arith.addi %add3A_164, %add3A_188 : i32
        %lt3A_190 = arith.constant 125 : i32
        %lt3A_191 = arith.cmpi slt, %add3A_189, %lt3A_190 : i32
        %convert_element_type3A_192 = arith.extui %lt3A_191 : i1 to i32
        %cond3A_193 = arith.constant 0 : i32
        %cond3A_194 = arith.cmpi ne, %convert_element_type3A_192, %cond3A_193 : i32
        scf.if %cond3A_194 {
          %add3A_195 = arith.constant 2 : i32
          %add3A_196 = arith.addi %add3A_164, %add3A_195 : i32
          %dma_start3A_197 = arith.constant 0 : i32
          %dma_start3A_198 = tpu.memref_slice %arg8[%add3A_196, %dma_start3A_197] : memref<125x80xi32, #tpu.memory_space<vmem>> -> memref<1x80xi32, #tpu.memory_space<vmem>>
          %dma_start3A_199 = tpu.memref_squeeze %dma_start3A_198 : memref<1x80xi32, #tpu.memory_space<vmem>> -> memref<80xi32, #tpu.memory_space<vmem>>
          %dma_start3A_200 = arith.constant 0 : i32
          %dma_start3A_201 = arith.constant 0 : i32
          %dma_start3A_202 = tpu.memref_slice %arg5[%arg0, %dma_start3A_200, %dma_start3A_201] : memref<2x10000x128xf32, #tpu.memory_space<hbm>> -> memref<1x10000x128xf32, #tpu.memory_space<hbm>>
          %dma_start3A_203 = tpu.memref_squeeze %dma_start3A_202 : memref<1x10000x128xf32, #tpu.memory_space<hbm>> -> memref<10000x128xf32, #tpu.memory_space<hbm>>
          %dma_start3A_204 = arith.constant 0 : i32
          %dma_start3A_205 = arith.constant 0 : i32
          %dma_start3A_206 = tpu.memref_slice %dma_start3A_203[%dma_start3A_204, %dma_start3A_205] : memref<10000x128xf32, #tpu.memory_space<hbm>> -> memref<10000x128xf32, #tpu.memory_space<hbm>>
          tpu.enqueue_indirect_dma source(%dma_start3A_206 : memref<10000x128xf32, #tpu.memory_space<hbm>>) target(%arg10 : memref<80x128xf32, #tpu.memory_space<vmem>>) offsets(%dma_start3A_199 : memref<80xi32, #tpu.memory_space<vmem>>) semaphore(%arg16 : memref<!tpu.dma_semaphore, #tpu.memory_space<semaphore_mem>>)
        } else {
        }
      } else {
      }
      %mul3A_170 = arith.constant 4 : i32
      %mul3A_171 = arith.muli %scan3A_122, %mul3A_170 : i32
      %add3A_172 = arith.constant 3 : i32
      %add3A_173 = arith.addi %mul3A_171, %add3A_172 : i32
      %lt3A_174 = arith.constant 125 : i32
      %lt3A_175 = arith.cmpi slt, %add3A_173, %lt3A_174 : i32
      %convert_element_type3A_176 = arith.extui %lt3A_175 : i1 to i32
      %cond3A_177 = arith.constant 0 : i32
      %cond3A_178 = arith.cmpi ne, %convert_element_type3A_176, %cond3A_177 : i32
      scf.if %cond3A_178 {
        %dma_wait3A = arith.constant 0 : i32
        %dma_wait3A_179 = tpu.memref_slice %arg8[%add3A_173, %dma_wait3A] : memref<125x80xi32, #tpu.memory_space<vmem>> -> memref<1x80xi32, #tpu.memory_space<vmem>>
        %dma_wait3A_180 = tpu.memref_squeeze %dma_wait3A_179 : memref<1x80xi32, #tpu.memory_space<vmem>> -> memref<80xi32, #tpu.memory_space<vmem>>
        %dma_wait3A_181 = arith.constant 0 : i32
        %dma_wait3A_182 = arith.constant 0 : i32
        %dma_wait3A_183 = tpu.memref_slice %arg5[%arg0, %dma_wait3A_181, %dma_wait3A_182] : memref<2x10000x128xf32, #tpu.memory_space<hbm>> -> memref<1x10000x128xf32, #tpu.memory_space<hbm>>
        %dma_wait3A_184 = tpu.memref_squeeze %dma_wait3A_183 : memref<1x10000x128xf32, #tpu.memory_space<hbm>> -> memref<10000x128xf32, #tpu.memory_space<hbm>>
        %dma_wait3A_185 = arith.constant 0 : i32
        %dma_wait3A_186 = arith.constant 0 : i32
        %dma_wait3A_187 = tpu.memref_slice %dma_wait3A_184[%dma_wait3A_185, %dma_wait3A_186] : memref<10000x128xf32, #tpu.memory_space<hbm>> -> memref<10000x128xf32, #tpu.memory_space<hbm>>
        tpu.wait_indirect_dma semaphore(%arg17 : memref<!tpu.dma_semaphore, #tpu.memory_space<semaphore_mem>>) src(%dma_wait3A_187 : memref<10000x128xf32, #tpu.memory_space<hbm>>) dst(%arg11 : memref<80x128xf32, #tpu.memory_space<vmem>>)
        "tpu.region"() ({
          %run_scoped3A = tpu.sem_alloc : memref<!tpu.dma_semaphore, #tpu.memory_space<semaphore_mem>>
          %dma_start3A_195 = arith.constant 0 : i32
          %dma_start3A_196 = tpu.memref_slice %arg9[%add3A_173, %dma_start3A_195] : memref<125x80xi32, #tpu.memory_space<vmem>> -> memref<1x80xi32, #tpu.memory_space<vmem>>
          %dma_start3A_197 = tpu.memref_squeeze %dma_start3A_196 : memref<1x80xi32, #tpu.memory_space<vmem>> -> memref<80xi32, #tpu.memory_space<vmem>>
          %dma_start3A_198 = arith.constant 0 : i32
          %dma_start3A_199 = arith.constant 0 : i32
          %dma_start3A_200 = tpu.memref_slice %arg15[%dma_start3A_198, %dma_start3A_199] : memref<10000x128xf32, #tpu.memory_space<vmem_shared>> -> memref<10000x128xf32, #tpu.memory_space<vmem_shared>>
          tpu.enqueue_indirect_dma source(%arg11 : memref<80x128xf32, #tpu.memory_space<vmem>>) target(%dma_start3A_200 : memref<10000x128xf32, #tpu.memory_space<vmem_shared>>) offsets(%dma_start3A_197 : memref<80xi32, #tpu.memory_space<vmem>>) semaphore(%run_scoped3A : memref<!tpu.dma_semaphore, #tpu.memory_space<semaphore_mem>>) {add = true}
          %dma_wait3A_201 = arith.constant 0 : i32
          %dma_wait3A_202 = tpu.memref_slice %arg9[%add3A_173, %dma_wait3A_201] : memref<125x80xi32, #tpu.memory_space<vmem>> -> memref<1x80xi32, #tpu.memory_space<vmem>>
          %dma_wait3A_203 = tpu.memref_squeeze %dma_wait3A_202 : memref<1x80xi32, #tpu.memory_space<vmem>> -> memref<80xi32, #tpu.memory_space<vmem>>
          %dma_wait3A_204 = arith.constant 0 : i32
          %dma_wait3A_205 = arith.constant 0 : i32
          %dma_wait3A_206 = tpu.memref_slice %arg15[%dma_wait3A_204, %dma_wait3A_205] : memref<10000x128xf32, #tpu.memory_space<vmem_shared>> -> memref<10000x128xf32, #tpu.memory_space<vmem_shared>>
          tpu.wait_indirect_dma semaphore(%run_scoped3A : memref<!tpu.dma_semaphore, #tpu.memory_space<semaphore_mem>>) src(%arg11 : memref<80x128xf32, #tpu.memory_space<vmem>>) dst(%dma_wait3A_206 : memref<10000x128xf32, #tpu.memory_space<vmem_shared>>)
          tpu.yield
        }) : () -> ()
        %add3A_188 = arith.constant 2 : i32
        %add3A_189 = arith.addi %add3A_173, %add3A_188 : i32
        %lt3A_190 = arith.constant 125 : i32
        %lt3A_191 = arith.cmpi slt, %add3A_189, %lt3A_190 : i32
        %convert_element_type3A_192 = arith.extui %lt3A_191 : i1 to i32
        %cond3A_193 = arith.constant 0 : i32
        %cond3A_194 = arith.cmpi ne, %convert_element_type3A_192, %cond3A_193 : i32
        scf.if %cond3A_194 {
          %add3A_195 = arith.constant 2 : i32
          %add3A_196 = arith.addi %add3A_173, %add3A_195 : i32
          %dma_start3A_197 = arith.constant 0 : i32
          %dma_start3A_198 = tpu.memref_slice %arg8[%add3A_196, %dma_start3A_197] : memref<125x80xi32, #tpu.memory_space<vmem>> -> memref<1x80xi32, #tpu.memory_space<vmem>>
          %dma_start3A_199 = tpu.memref_squeeze %dma_start3A_198 : memref<1x80xi32, #tpu.memory_space<vmem>> -> memref<80xi32, #tpu.memory_space<vmem>>
          %dma_start3A_200 = arith.constant 0 : i32
          %dma_start3A_201 = arith.constant 0 : i32
          %dma_start3A_202 = tpu.memref_slice %arg5[%arg0, %dma_start3A_200, %dma_start3A_201] : memref<2x10000x128xf32, #tpu.memory_space<hbm>> -> memref<1x10000x128xf32, #tpu.memory_space<hbm>>
          %dma_start3A_203 = tpu.memref_squeeze %dma_start3A_202 : memref<1x10000x128xf32, #tpu.memory_space<hbm>> -> memref<10000x128xf32, #tpu.memory_space<hbm>>
          %dma_start3A_204 = arith.constant 0 : i32
          %dma_start3A_205 = arith.constant 0 : i32
          %dma_start3A_206 = tpu.memref_slice %dma_start3A_203[%dma_start3A_204, %dma_start3A_205] : memref<10000x128xf32, #tpu.memory_space<hbm>> -> memref<10000x128xf32, #tpu.memory_space<hbm>>
          tpu.enqueue_indirect_dma source(%dma_start3A_206 : memref<10000x128xf32, #tpu.memory_space<hbm>>) target(%arg11 : memref<80x128xf32, #tpu.memory_space<vmem>>) offsets(%dma_start3A_199 : memref<80xi32, #tpu.memory_space<vmem>>) semaphore(%arg17 : memref<!tpu.dma_semaphore, #tpu.memory_space<semaphore_mem>>)
        } else {
        }
      } else {
      }
    }
    %scan3A_115 = arith.constant 32 : i32
    %barrier3A_116 = arith.constant 0 : index
    tpu.barrier barrier_id(%barrier3A_116)
    %lt3A_117 = arith.constant 10 : i32
    %lt3A_118 = arith.cmpi slt, %arg1, %lt3A_117 : i32
    %convert_element_type3A_119 = arith.extui %lt3A_118 : i1 to i32
    %cond3A_120 = arith.constant 0 : i32
    %cond3A_121 = arith.cmpi ne, %convert_element_type3A_119, %cond3A_120 : i32
    scf.if %cond3A_121 {
      %mul3A_122 = arith.constant 1000 : i32
      %mul3A_123 = arith.muli %arg1, %mul3A_122 : i32
      %mul3A_124 = arith.constant 1000 : i32
      %mul3A_125 = arith.muli %arg1, %mul3A_124 : i32
      "tpu.region"() ({
        %run_scoped3A = tpu.sem_alloc : memref<!tpu.dma_semaphore, #tpu.memory_space<semaphore_mem>>
        %dma_start3A_130 = arith.constant 0 : i32
        %dma_start3A_131 = tpu.memref_slice %arg7[%arg0, %mul3A_125, %dma_start3A_130] : memref<2x10000x128xf32, #tpu.memory_space<hbm>> -> memref<1x1000x128xf32, #tpu.memory_space<hbm>>
        %dma_start3A_132 = tpu.memref_squeeze %dma_start3A_131 : memref<1x1000x128xf32, #tpu.memory_space<hbm>> -> memref<1000x128xf32, #tpu.memory_space<hbm>>
        %dma_start3A_133 = arith.constant 0 : i32
        %dma_start3A_134 = tpu.memref_slice %arg15[%mul3A_123, %dma_start3A_133] : memref<10000x128xf32, #tpu.memory_space<vmem_shared>> -> memref<1000x128xf32, #tpu.memory_space<vmem_shared>>
        tpu.enqueue_dma source(%dma_start3A_134 : memref<1000x128xf32, #tpu.memory_space<vmem_shared>>) target(%dma_start3A_132 : memref<1000x128xf32, #tpu.memory_space<hbm>>) target_semaphore(%run_scoped3A : memref<!tpu.dma_semaphore, #tpu.memory_space<semaphore_mem>>)
        %dma_wait3A = arith.constant 0 : i32
        %dma_wait3A_135 = tpu.memref_slice %arg7[%arg0, %mul3A_125, %dma_wait3A] : memref<2x10000x128xf32, #tpu.memory_space<hbm>> -> memref<1x1000x128xf32, #tpu.memory_space<hbm>>
        %dma_wait3A_136 = tpu.memref_squeeze %dma_wait3A_135 : memref<1x1000x128xf32, #tpu.memory_space<hbm>> -> memref<1000x128xf32, #tpu.memory_space<hbm>>
        %dma_wait3A_137 = arith.constant 0 : i32
        %dma_wait3A_138 = tpu.memref_slice %arg15[%mul3A_123, %dma_wait3A_137] : memref<10000x128xf32, #tpu.memory_space<vmem_shared>> -> memref<1000x128xf32, #tpu.memory_space<vmem_shared>>
        tpu.wait_dma2 semaphore(%run_scoped3A : memref<!tpu.dma_semaphore, #tpu.memory_space<semaphore_mem>>) src(%dma_wait3A_138 : memref<1000x128xf32, #tpu.memory_space<vmem_shared>>) dst(%dma_wait3A_136 : memref<1000x128xf32, #tpu.memory_space<hbm>>)
        tpu.yield
      }) : () -> ()
      %mul3A_126 = arith.constant 1000 : i32
      %mul3A_127 = arith.muli %arg1, %mul3A_126 : i32
      %mul3A_128 = arith.constant 1000 : i32
      %mul3A_129 = arith.muli %arg1, %mul3A_128 : i32
      "tpu.region"() ({
        %run_scoped3A = tpu.sem_alloc : memref<!tpu.dma_semaphore, #tpu.memory_space<semaphore_mem>>
        %dma_start3A_130 = arith.constant 0 : i32
        %dma_start3A_131 = tpu.memref_slice %arg6[%arg0, %mul3A_129, %dma_start3A_130] : memref<2x10000x8xf32, #tpu.memory_space<hbm>> -> memref<1x1000x8xf32, #tpu.memory_space<hbm>>
        %dma_start3A_132 = tpu.memref_squeeze %dma_start3A_131 : memref<1x1000x8xf32, #tpu.memory_space<hbm>> -> memref<1000x8xf32, #tpu.memory_space<hbm>>
        %dma_start3A_133 = arith.constant 0 : i32
        %dma_start3A_134 = tpu.memref_slice %arg14[%mul3A_127, %dma_start3A_133] : memref<10000x8xf32, #tpu.memory_space<vmem_shared>> -> memref<1000x8xf32, #tpu.memory_space<vmem_shared>>
        tpu.enqueue_dma source(%dma_start3A_134 : memref<1000x8xf32, #tpu.memory_space<vmem_shared>>) target(%dma_start3A_132 : memref<1000x8xf32, #tpu.memory_space<hbm>>) target_semaphore(%run_scoped3A : memref<!tpu.dma_semaphore, #tpu.memory_space<semaphore_mem>>)
        %dma_wait3A = arith.constant 0 : i32
        %dma_wait3A_135 = tpu.memref_slice %arg6[%arg0, %mul3A_129, %dma_wait3A] : memref<2x10000x8xf32, #tpu.memory_space<hbm>> -> memref<1x1000x8xf32, #tpu.memory_space<hbm>>
        %dma_wait3A_136 = tpu.memref_squeeze %dma_wait3A_135 : memref<1x1000x8xf32, #tpu.memory_space<hbm>> -> memref<1000x8xf32, #tpu.memory_space<hbm>>
        %dma_wait3A_137 = arith.constant 0 : i32
        %dma_wait3A_138 = tpu.memref_slice %arg14[%mul3A_127, %dma_wait3A_137] : memref<10000x8xf32, #tpu.memory_space<vmem_shared>> -> memref<1000x8xf32, #tpu.memory_space<vmem_shared>>
        tpu.wait_dma2 semaphore(%run_scoped3A : memref<!tpu.dma_semaphore, #tpu.memory_space<semaphore_mem>>) src(%dma_wait3A_138 : memref<1000x8xf32, #tpu.memory_space<vmem_shared>>) dst(%dma_wait3A_136 : memref<1000x8xf32, #tpu.memory_space<hbm>>)
        tpu.yield
      }) : () -> ()
    } else {
    }
    return
  }
}

module attributes {stable_mosaic.version = 14 : i64} {
  func.func @_pre_body(%arg0: i32, %arg1: memref<1x4x2000x128xf32, #tpu.memory_space<vmem>>, %arg2: memref<128x64xf32, #tpu.memory_space<vmem>>, %arg3: memref<1x4x32xf32, #tpu.memory_space<vmem>>, %arg4: memref<2000x4xf32, #tpu.memory_space<vmem>>, %arg5: memref<2000x8xf32, #tpu.memory_space<vmem>>, %arg6: memref<2x2000x128xf32, #tpu.memory_space<vmem>>) attributes {dimension_semantics = [#tpu.dimension_semantics<arbitrary>], iteration_bounds = array<i64: 5>, scalar_prefetch = 0 : i64, scratch_operands = 0 : i64, tpu.core_type = #tpu.core_type<tc>, window_params = [{transform_indices = @transform_0, window_bounds = array<i64: 1, 4, 2000, 128>}, {pipeline_mode = #tpu.pipeline_mode<synchronous>, transform_indices = @transform_1, window_bounds = array<i64: 128, 64>}, {pipeline_mode = #tpu.pipeline_mode<synchronous>, transform_indices = @transform_2, window_bounds = array<i64: 1, 4, 32>}, {transform_indices = @transform_3, window_bounds = array<i64: 2000, 4>}, {transform_indices = @transform_4, window_bounds = array<i64: 2000, 8>}, {transform_indices = @transform_5, window_bounds = array<i64: 2, 2000, 128>}]} {
    %get3A = arith.constant 0 : index
    %get3A_0 = arith.constant 0 : index
    %get3A_1 = arith.constant 0 : index
    %get3A_2 = vector.load %arg3[%get3A, %get3A_0, %get3A_1] : memref<1x4x32xf32, #tpu.memory_space<vmem>>, vector<1x4x16xf32>
    %get3A_3 = vector.shape_cast %get3A_2 : vector<1x4x16xf32> to vector<4x16xf32>
    %reshape3A = vector.shape_cast %get3A_3 : vector<4x16xf32> to vector<1x64xf32>
    %tile3A = tpu.concatenate %reshape3A, %reshape3A, %reshape3A, %reshape3A in 1 : vector<1x64xf32>, vector<1x64xf32>, vector<1x64xf32>, vector<1x64xf32> -> vector<1x256xf32>
    %reshape3A_4 = vector.shape_cast %tile3A : vector<1x256xf32> to vector<256x1xf32>
    %iota3A = tpu.iota {dimensions = array<i32: 0>} : vector<256x4xi32>
    %jit3A = arith.constant 16 : i32
    %div3A = vector.broadcast %jit3A : i32 to vector<256x4xi32>
    %div3A_5 = arith.divsi %iota3A, %div3A : vector<256x4xi32>
    %sign3A = arith.constant 0 : i32
    %sign3A_6 = vector.broadcast %sign3A : i32 to vector<256x4xi32>
    %sign3A_7 = arith.cmpi sgt, %iota3A, %sign3A_6 : vector<256x4xi32>
    %sign3A_8 = arith.extui %sign3A_7 : vector<256x4xi1> to vector<256x4xi32>
    %sign3A_9 = arith.constant 0 : i32
    %sign3A_10 = vector.broadcast %sign3A_9 : i32 to vector<256x4xi32>
    %sign3A_11 = arith.cmpi slt, %iota3A, %sign3A_10 : vector<256x4xi32>
    %sign3A_12 = arith.extui %sign3A_11 : vector<256x4xi1> to vector<256x4xi32>
    %sign3A_13 = arith.subi %sign3A_8, %sign3A_12 : vector<256x4xi32>
    %sign3A_14 = arith.constant 0 : i32
    %sign3A_15 = arith.cmpi sgt, %jit3A, %sign3A_14 : i32
    %sign3A_16 = arith.extui %sign3A_15 : i1 to i32
    %sign3A_17 = arith.constant 0 : i32
    %sign3A_18 = arith.cmpi slt, %jit3A, %sign3A_17 : i32
    %sign3A_19 = arith.extui %sign3A_18 : i1 to i32
    %sign3A_20 = arith.subi %sign3A_16, %sign3A_19 : i32
    %ne3A = vector.broadcast %sign3A_20 : i32 to vector<256x4xi32>
    %ne3A_21 = arith.cmpi ne, %sign3A_13, %ne3A : vector<256x4xi32>
    %rem3A = vector.broadcast %jit3A : i32 to vector<256x4xi32>
    %rem3A_22 = arith.remsi %iota3A, %rem3A : vector<256x4xi32>
    %ne3A_23 = arith.constant 0 : i32
    %ne3A_24 = vector.broadcast %ne3A_23 : i32 to vector<256x4xi32>
    %ne3A_25 = arith.cmpi ne, %rem3A_22, %ne3A_24 : vector<256x4xi32>
    %and3A = arith.andi %ne3A_21, %ne3A_25 : vector<256x4xi1>
    %sub3A = arith.constant 1 : i32
    %sub3A_26 = vector.broadcast %sub3A : i32 to vector<256x4xi32>
    %sub3A_27 = arith.subi %div3A_5, %sub3A_26 : vector<256x4xi32>
    %select_n3A = arith.select %and3A, %sub3A_27, %div3A_5 : vector<256x4xi1>, vector<256x4xi32>
    %jit3A_28 = arith.constant 4 : i32
    %eq3A = arith.constant 0 : i32
    %eq3A_29 = arith.cmpi eq, %jit3A_28, %eq3A : i32
    %jit3A_30 = arith.constant 1 : i32
    %select_n3A_31 = arith.select %eq3A_29, %jit3A_30, %jit3A_28 : i32
    %rem3A_32 = vector.broadcast %select_n3A_31 : i32 to vector<256x4xi32>
    %rem3A_33 = arith.remsi %select_n3A, %rem3A_32 : vector<256x4xi32>
    %ne3A_34 = arith.constant 0 : i32
    %ne3A_35 = vector.broadcast %ne3A_34 : i32 to vector<256x4xi32>
    %ne3A_36 = arith.cmpi ne, %rem3A_33, %ne3A_35 : vector<256x4xi32>
    %lt3A = arith.constant 0 : i32
    %lt3A_37 = vector.broadcast %lt3A : i32 to vector<256x4xi32>
    %lt3A_38 = arith.cmpi slt, %rem3A_33, %lt3A_37 : vector<256x4xi32>
    %lt3A_39 = arith.constant 0 : i32
    %lt3A_40 = arith.cmpi slt, %select_n3A_31, %lt3A_39 : i32
    %ne3A_41 = vector.broadcast %lt3A_40 : i1 to vector<256x4xi1>
    %ne3A_42 = vector.broadcast %ne3A_41 : vector<256x4xi1> to vector<256x4xi1>
    %ne3A_43 = arith.xori %lt3A_38, %ne3A_42 : vector<256x4xi1>
    %and3A_44 = arith.andi %ne3A_43, %ne3A_36 : vector<256x4xi1>
    %add3A = vector.broadcast %select_n3A_31 : i32 to vector<256x4xi32>
    %add3A_45 = arith.addi %rem3A_33, %add3A : vector<256x4xi32>
    %select_n3A_46 = arith.select %and3A_44, %add3A_45, %rem3A_33 : vector<256x4xi1>, vector<256x4xi32>
    %iota3A_47 = tpu.iota {dimensions = array<i32: 1>} : vector<256x4xi32>
    %eq3A_48 = arith.cmpi eq, %select_n3A_46, %iota3A_47 : vector<256x4xi32>
    %jit3A_49 = arith.constant 1.000000e+00 : f32
    %jit3A_50 = arith.constant 0.000000e+00 : f32
    %broadcast_in_dim3A = vector.broadcast %jit3A_49 : f32 to vector<256x4xf32>
    %broadcast_in_dim3A_51 = vector.broadcast %jit3A_50 : f32 to vector<256x4xf32>
    %select_n3A_52 = arith.select %eq3A_48, %broadcast_in_dim3A, %broadcast_in_dim3A_51 : vector<256x4xi1>, vector<256x4xf32>
    %mul3A = vector.broadcast %reshape3A_4 : vector<256x1xf32> to vector<256x4xf32>
    %mul3A_53 = arith.mulf %mul3A, %select_n3A_52 : vector<256x4xf32>
    %div3A_54 = arith.constant 4.000000e+00 : f32
    %div3A_55 = vector.broadcast %div3A_54 : f32 to vector<256x4xf32>
    %div3A_56 = arith.divf %mul3A_53, %div3A_55 : vector<256x4xf32>
    %get3A_57 = arith.constant 0 : index
    %get3A_58 = arith.constant 0 : index
    %get3A_59 = arith.constant 0 : index
    %get3A_60 = arith.constant 0 : index
    %get3A_61 = vector.load %arg1[%get3A_57, %get3A_58, %get3A_59, %get3A_60] : memref<1x4x2000x128xf32, #tpu.memory_space<vmem>>, vector<1x4x2000x128xf32>
    %get3A_62 = vector.shape_cast %get3A_61 : vector<1x4x2000x128xf32> to vector<4x2000x128xf32>
    %get3A_63 = arith.constant 0 : index
    %get3A_64 = arith.constant 0 : index
    %get3A_65 = vector.load %arg2[%get3A_63, %get3A_64] : memref<128x64xf32, #tpu.memory_space<vmem>>, vector<128x64xf32>
    %dot_general3A = arith.constant dense<0.000000e+00> : vector<4x2000x64xf32>
    %dot_general3A_66 = tpu.matmul %get3A_62, %get3A_65, %dot_general3A {dimension_numbers = #tpu.dot_dimension_numbers<[2], [0], [0, 1], [1], [0, 0, 0, 1, 1, 1], [], []>, transpose_lhs_hint = false} : vector<4x2000x128xf32>, vector<128x64xf32>, vector<4x2000x64xf32> -> vector<4x2000x64xf32>
    %transpose3A = tpu.transpose %dot_general3A_66, [1, 0, 2] : vector<4x2000x64xf32> -> vector<2000x4x64xf32>
    %reshape3A_67 = vector.shape_cast %transpose3A : vector<2000x4x64xf32> to vector<2000x256xf32>
    %gt3A = arith.constant 0.000000e+00 : f32
    %gt3A_68 = vector.broadcast %gt3A : f32 to vector<2000x256xf32>
    %gt3A_69 = arith.cmpf ogt, %reshape3A_67, %gt3A_68 : vector<2000x256xf32>
    %mul3A_70 = arith.constant 2.000000e-01 : f32
    %mul3A_71 = vector.broadcast %mul3A_70 : f32 to vector<2000x256xf32>
    %mul3A_72 = arith.mulf %mul3A_71, %reshape3A_67 : vector<2000x256xf32>
    %select_n3A_73 = arith.select %gt3A_69, %reshape3A_67, %mul3A_72 : vector<2000x256xi1>, vector<2000x256xf32>
    %dot_general3A_74 = arith.constant dense<0.000000e+00> : vector<2000x4xf32>
    %dot_general3A_75 = tpu.matmul %select_n3A_73, %div3A_56, %dot_general3A_74 {dimension_numbers = #tpu.dot_dimension_numbers<[1], [0], [0], [1], [0, 0, 1, 1], [], []>, transpose_lhs_hint = false} : vector<2000x256xf32>, vector<256x4xf32>, vector<2000x4xf32> -> vector<2000x4xf32>
    %exp3A = math.exp %dot_general3A_75 : vector<2000x4xf32>
    %swap3A = arith.constant 0 : index
    %swap3A_76 = arith.constant 0 : index
    %swap3A_77 = vector.load %arg4[%swap3A, %swap3A_76] : memref<2000x4xf32, #tpu.memory_space<vmem>>, vector<2000x4xf32>
    tpu.vector_store %arg4[%swap3A, %swap3A_76], %exp3A {strides = array<i32>} : memref<2000x4xf32, #tpu.memory_space<vmem>>, vector<2000x4xf32>,
    %broadcast_in_dim3A_78 = arith.constant 0.000000e+00 : f32
    %broadcast_in_dim3A_79 = vector.broadcast %broadcast_in_dim3A_78 : f32 to vector<2000x4xf32>
    %concatenate3A = tpu.concatenate %exp3A, %broadcast_in_dim3A_79 in 1 : vector<2000x4xf32>, vector<2000x4xf32> -> vector<2000x8xf32>
    %swap3A_80 = arith.constant 0 : index
    %swap3A_81 = arith.constant 0 : index
    %swap3A_82 = vector.load %arg5[%swap3A_80, %swap3A_81] : memref<2000x8xf32, #tpu.memory_space<vmem>>, vector<2000x8xf32>
    tpu.vector_store %arg5[%swap3A_80, %swap3A_81], %concatenate3A {strides = array<i32>} : memref<2000x8xf32, #tpu.memory_space<vmem>>, vector<2000x8xf32>,
    %transpose3A_83 = tpu.transpose %select_n3A_52, [1, 0] : vector<256x4xf32> -> vector<4x256xf32>
    %dot_general3A_84 = arith.constant dense<0.000000e+00> : vector<2000x256xf32>
    %dot_general3A_85 = tpu.matmul %exp3A, %transpose3A_83, %dot_general3A_84 {dimension_numbers = #tpu.dot_dimension_numbers<[1], [0], [0], [1], [0, 0, 1, 1], [], []>, transpose_lhs_hint = false} : vector<2000x4xf32>, vector<4x256xf32>, vector<2000x256xf32> -> vector<2000x256xf32>
    %mul3A_86 = arith.mulf %reshape3A_67, %dot_general3A_85 : vector<2000x256xf32>
    %slice3A = vector.extract_strided_slice %mul3A_86 {offsets = [0, 0], sizes = [2000, 128], strides = [1, 1]} : vector<2000x256xf32> to vector<2000x128xf32>
    %slice3A_87 = vector.extract_strided_slice %mul3A_86 {offsets = [0, 128], sizes = [2000, 128], strides = [1, 1]} : vector<2000x256xf32> to vector<2000x128xf32>
    %stack3A = vector.shape_cast %slice3A : vector<2000x128xf32> to vector<1x2000x128xf32>
    %stack3A_88 = vector.shape_cast %slice3A_87 : vector<2000x128xf32> to vector<1x2000x128xf32>
    %stack3A_89 = tpu.concatenate %stack3A, %stack3A_88 in 0 : vector<1x2000x128xf32>, vector<1x2000x128xf32> -> vector<2x2000x128xf32>
    %swap3A_90 = arith.constant 0 : index
    %swap3A_91 = arith.constant 0 : index
    %swap3A_92 = arith.constant 0 : index
    %swap3A_93 = vector.load %arg6[%swap3A_90, %swap3A_91, %swap3A_92] : memref<2x2000x128xf32, #tpu.memory_space<vmem>>, vector<2x2000x128xf32>
    tpu.vector_store %arg6[%swap3A_90, %swap3A_91, %swap3A_92], %stack3A_89 {strides = array<i32>} : memref<2x2000x128xf32, #tpu.memory_space<vmem>>, vector<2x2000x128xf32>,
    return
  }
  func.func @transform_0(%arg0: i32) -> (i32, i32, i32, i32) {
    %c0_i32 = arith.constant 0 : i32
    %c0_i32_0 = arith.constant 0 : i32
    %c0_i32_1 = arith.constant 0 : i32
    %c0_i32_2 = arith.constant 0 : i32
    return %c0_i32, %c0_i32_0, %arg0, %c0_i32_1 : i32, i32, i32, i32
  }
  func.func @transform_1(%arg0: i32) -> (i32, i32) {
    %c0_i32 = arith.constant 0 : i32
    %c0_i32_0 = arith.constant 0 : i32
    %c0_i32_1 = arith.constant 0 : i32
    return %c0_i32, %c0_i32_0 : i32, i32
  }
  func.func @transform_2(%arg0: i32) -> (i32, i32, i32) {
    %c0_i32 = arith.constant 0 : i32
    %c0_i32_0 = arith.constant 0 : i32
    %c0_i32_1 = arith.constant 0 : i32
    %c0_i32_2 = arith.constant 0 : i32
    return %c0_i32, %c0_i32_0, %c0_i32_1 : i32, i32, i32
  }
  func.func @transform_3(%arg0: i32) -> (i32, i32) {
    %c0_i32 = arith.constant 0 : i32
    %c0_i32_0 = arith.constant 0 : i32
    return %arg0, %c0_i32 : i32, i32
  }
  func.func @transform_4(%arg0: i32) -> (i32, i32) {
    %c0_i32 = arith.constant 0 : i32
    %c0_i32_0 = arith.constant 0 : i32
    return %arg0, %c0_i32 : i32, i32
  }
  func.func @transform_5(%arg0: i32) -> (i32, i32, i32) {
    %c0_i32 = arith.constant 0 : i32
    %c0_i32_0 = arith.constant 0 : i32
    %c0_i32_1 = arith.constant 0 : i32
    return %c0_i32, %arg0, %c0_i32_0 : i32, i32, i32
  }
}

module attributes {stable_mosaic.version = 14 : i64} {
  func.func @_final_body(%arg0: i32, %arg1: memref<2x2000x128xf32, #tpu.memory_space<vmem>>, %arg2: memref<2x2000x8xf32, #tpu.memory_space<vmem>>, %arg3: memref<2000x4xf32, #tpu.memory_space<vmem>>, %arg4: memref<1x2000x128xf32, #tpu.memory_space<vmem>>, %arg5: memref<1x2000x128xf32, #tpu.memory_space<vmem>>, %arg6: memref<64x128xf32, #tpu.memory_space<vmem>>, %arg7: memref<128xf32, #tpu.memory_space<vmem>>, %arg8: memref<128x64xf32, #tpu.memory_space<vmem>>, %arg9: memref<64xf32, #tpu.memory_space<vmem>>, %arg10: memref<64xf32, #tpu.memory_space<vmem>>, %arg11: memref<1x4x2000x64xf32, #tpu.memory_space<vmem>>) attributes {dimension_semantics = [#tpu.dimension_semantics<arbitrary>], iteration_bounds = array<i64: 5>, scalar_prefetch = 0 : i64, scratch_operands = 0 : i64, tpu.core_type = #tpu.core_type<tc>, window_params = [{transform_indices = @transform_0, window_bounds = array<i64: 2, 2000, 128>}, {transform_indices = @transform_1, window_bounds = array<i64: 2, 2000, 8>}, {transform_indices = @transform_2, window_bounds = array<i64: 2000, 4>}, {transform_indices = @transform_3, window_bounds = array<i64: 1, 2000, 128>}, {transform_indices = @transform_4, window_bounds = array<i64: 1, 2000, 128>}, {pipeline_mode = #tpu.pipeline_mode<synchronous>, transform_indices = @transform_5, window_bounds = array<i64: 64, 128>}, {pipeline_mode = #tpu.pipeline_mode<synchronous>, transform_indices = @transform_6, window_bounds = array<i64: 128>}, {pipeline_mode = #tpu.pipeline_mode<synchronous>, transform_indices = @transform_7, window_bounds = array<i64: 128, 64>}, {pipeline_mode = #tpu.pipeline_mode<synchronous>, transform_indices = @transform_8, window_bounds = array<i64: 64>}, {pipeline_mode = #tpu.pipeline_mode<synchronous>, transform_indices = @transform_9, window_bounds = array<i64: 64>}, {transform_indices = @transform_10, window_bounds = array<i64: 1, 4, 2000, 64>}]} {
    %get3A = arith.constant 0 : index
    %get3A_0 = arith.constant 0 : index
    %get3A_1 = arith.constant 0 : index
    %get3A_2 = vector.load %arg1[%get3A, %get3A_0, %get3A_1] : memref<2x2000x128xf32, #tpu.memory_space<vmem>>, vector<1x2000x128xf32>
    %get3A_3 = vector.shape_cast %get3A_2 : vector<1x2000x128xf32> to vector<2000x128xf32>
    %get3A_4 = arith.constant 0 : index
    %get3A_5 = arith.constant 0 : index
    %get3A_6 = arith.constant 0 : index
    %get3A_7 = vector.load %arg4[%get3A_4, %get3A_5, %get3A_6] : memref<1x2000x128xf32, #tpu.memory_space<vmem>>, vector<1x2000x128xf32>
    %get3A_8 = vector.shape_cast %get3A_7 : vector<1x2000x128xf32> to vector<2000x128xf32>
    %add3A = arith.addf %get3A_3, %get3A_8 : vector<2000x128xf32>
    %get3A_9 = arith.constant 1 : index
    %get3A_10 = arith.constant 0 : index
    %get3A_11 = arith.constant 0 : index
    %get3A_12 = vector.load %arg1[%get3A_9, %get3A_10, %get3A_11] : memref<2x2000x128xf32, #tpu.memory_space<vmem>>, vector<1x2000x128xf32>
    %get3A_13 = vector.shape_cast %get3A_12 : vector<1x2000x128xf32> to vector<2000x128xf32>
    %get3A_14 = arith.constant 0 : index
    %get3A_15 = arith.constant 0 : index
    %get3A_16 = arith.constant 0 : index
    %get3A_17 = vector.load %arg5[%get3A_14, %get3A_15, %get3A_16] : memref<1x2000x128xf32, #tpu.memory_space<vmem>>, vector<1x2000x128xf32>
    %get3A_18 = vector.shape_cast %get3A_17 : vector<1x2000x128xf32> to vector<2000x128xf32>
    %add3A_19 = arith.addf %get3A_13, %get3A_18 : vector<2000x128xf32>
    %concatenate3A = tpu.concatenate %add3A, %add3A_19 in 1 : vector<2000x128xf32>, vector<2000x128xf32> -> vector<2000x256xf32>
    %get3A_20 = arith.constant 0 : index
    %get3A_21 = arith.constant 0 : index
    %get3A_22 = arith.constant 0 : index
    %get3A_23 = vector.load %arg2[%get3A_20, %get3A_21, %get3A_22] : memref<2x2000x8xf32, #tpu.memory_space<vmem>>, vector<1x2000x4xf32>
    %get3A_24 = vector.shape_cast %get3A_23 : vector<1x2000x4xf32> to vector<2000x4xf32>
    %get3A_25 = arith.constant 1 : index
    %get3A_26 = arith.constant 0 : index
    %get3A_27 = arith.constant 0 : index
    %get3A_28 = vector.load %arg2[%get3A_25, %get3A_26, %get3A_27] : memref<2x2000x8xf32, #tpu.memory_space<vmem>>, vector<1x2000x4xf32>
    %get3A_29 = vector.shape_cast %get3A_28 : vector<1x2000x4xf32> to vector<2000x4xf32>
    %add3A_30 = arith.addf %get3A_24, %get3A_29 : vector<2000x4xf32>
    %get3A_31 = arith.constant 0 : index
    %get3A_32 = arith.constant 0 : index
    %get3A_33 = vector.load %arg3[%get3A_31, %get3A_32] : memref<2000x4xf32, #tpu.memory_space<vmem>>, vector<2000x4xf32>
    %add3A_34 = arith.addf %add3A_30, %get3A_33 : vector<2000x4xf32>
    %iota3A = tpu.iota {dimensions = array<i32: 1>} : vector<4x256xi32>
    %jit3A = arith.constant 16 : i32
    %div3A = vector.broadcast %jit3A : i32 to vector<4x256xi32>
    %div3A_35 = arith.divsi %iota3A, %div3A : vector<4x256xi32>
    %sign3A = arith.constant 0 : i32
    %sign3A_36 = vector.broadcast %sign3A : i32 to vector<4x256xi32>
    %sign3A_37 = arith.cmpi sgt, %iota3A, %sign3A_36 : vector<4x256xi32>
    %sign3A_38 = arith.extui %sign3A_37 : vector<4x256xi1> to vector<4x256xi32>
    %sign3A_39 = arith.constant 0 : i32
    %sign3A_40 = vector.broadcast %sign3A_39 : i32 to vector<4x256xi32>
    %sign3A_41 = arith.cmpi slt, %iota3A, %sign3A_40 : vector<4x256xi32>
    %sign3A_42 = arith.extui %sign3A_41 : vector<4x256xi1> to vector<4x256xi32>
    %sign3A_43 = arith.subi %sign3A_38, %sign3A_42 : vector<4x256xi32>
    %sign3A_44 = arith.constant 0 : i32
    %sign3A_45 = arith.cmpi sgt, %jit3A, %sign3A_44 : i32
    %sign3A_46 = arith.extui %sign3A_45 : i1 to i32
    %sign3A_47 = arith.constant 0 : i32
    %sign3A_48 = arith.cmpi slt, %jit3A, %sign3A_47 : i32
    %sign3A_49 = arith.extui %sign3A_48 : i1 to i32
    %sign3A_50 = arith.subi %sign3A_46, %sign3A_49 : i32
    %ne3A = vector.broadcast %sign3A_50 : i32 to vector<4x256xi32>
    %ne3A_51 = arith.cmpi ne, %sign3A_43, %ne3A : vector<4x256xi32>
    %rem3A = vector.broadcast %jit3A : i32 to vector<4x256xi32>
    %rem3A_52 = arith.remsi %iota3A, %rem3A : vector<4x256xi32>
    %ne3A_53 = arith.constant 0 : i32
    %ne3A_54 = vector.broadcast %ne3A_53 : i32 to vector<4x256xi32>
    %ne3A_55 = arith.cmpi ne, %rem3A_52, %ne3A_54 : vector<4x256xi32>
    %and3A = arith.andi %ne3A_51, %ne3A_55 : vector<4x256xi1>
    %sub3A = arith.constant 1 : i32
    %sub3A_56 = vector.broadcast %sub3A : i32 to vector<4x256xi32>
    %sub3A_57 = arith.subi %div3A_35, %sub3A_56 : vector<4x256xi32>
    %select_n3A = arith.select %and3A, %sub3A_57, %div3A_35 : vector<4x256xi1>, vector<4x256xi32>
    %jit3A_58 = arith.constant 4 : i32
    %eq3A = arith.constant 0 : i32
    %eq3A_59 = arith.cmpi eq, %jit3A_58, %eq3A : i32
    %jit3A_60 = arith.constant 1 : i32
    %select_n3A_61 = arith.select %eq3A_59, %jit3A_60, %jit3A_58 : i32
    %rem3A_62 = vector.broadcast %select_n3A_61 : i32 to vector<4x256xi32>
    %rem3A_63 = arith.remsi %select_n3A, %rem3A_62 : vector<4x256xi32>
    %ne3A_64 = arith.constant 0 : i32
    %ne3A_65 = vector.broadcast %ne3A_64 : i32 to vector<4x256xi32>
    %ne3A_66 = arith.cmpi ne, %rem3A_63, %ne3A_65 : vector<4x256xi32>
    %lt3A = arith.constant 0 : i32
    %lt3A_67 = vector.broadcast %lt3A : i32 to vector<4x256xi32>
    %lt3A_68 = arith.cmpi slt, %rem3A_63, %lt3A_67 : vector<4x256xi32>
    %lt3A_69 = arith.constant 0 : i32
    %lt3A_70 = arith.cmpi slt, %select_n3A_61, %lt3A_69 : i32
    %ne3A_71 = vector.broadcast %lt3A_70 : i1 to vector<4x256xi1>
    %ne3A_72 = vector.broadcast %ne3A_71 : vector<4x256xi1> to vector<4x256xi1>
    %ne3A_73 = arith.xori %lt3A_68, %ne3A_72 : vector<4x256xi1>
    %and3A_74 = arith.andi %ne3A_73, %ne3A_66 : vector<4x256xi1>
    %add3A_75 = vector.broadcast %select_n3A_61 : i32 to vector<4x256xi32>
    %add3A_76 = arith.addi %rem3A_63, %add3A_75 : vector<4x256xi32>
    %select_n3A_77 = arith.select %and3A_74, %add3A_76, %rem3A_63 : vector<4x256xi1>, vector<4x256xi32>
    %iota3A_78 = tpu.iota {dimensions = array<i32: 0>} : vector<4x256xi32>
    %eq3A_79 = arith.cmpi eq, %iota3A_78, %select_n3A_77 : vector<4x256xi32>
    %jit3A_80 = arith.constant 1.000000e+00 : f32
    %jit3A_81 = arith.constant 0.000000e+00 : f32
    %broadcast_in_dim3A = vector.broadcast %jit3A_80 : f32 to vector<4x256xf32>
    %broadcast_in_dim3A_82 = vector.broadcast %jit3A_81 : f32 to vector<4x256xf32>
    %select_n3A_83 = arith.select %eq3A_79, %broadcast_in_dim3A, %broadcast_in_dim3A_82 : vector<4x256xi1>, vector<4x256xf32>
    %div3A_84 = arith.constant 1.000000e+00 : f32
    %div3A_85 = vector.broadcast %div3A_84 : f32 to vector<2000x4xf32>
    %div3A_86 = arith.divf %div3A_85, %add3A_34 : vector<2000x4xf32>
    %dot_general3A = arith.constant dense<0.000000e+00> : vector<2000x256xf32>
    %dot_general3A_87 = tpu.matmul %div3A_86, %select_n3A_83, %dot_general3A {dimension_numbers = #tpu.dot_dimension_numbers<[1], [0], [0], [1], [0, 0, 1, 1], [], []>, transpose_lhs_hint = false} : vector<2000x4xf32>, vector<4x256xf32>, vector<2000x256xf32> -> vector<2000x256xf32>
    %mul3A = arith.mulf %concatenate3A, %dot_general3A_87 : vector<2000x256xf32>
    %reshape3A = vector.shape_cast %mul3A : vector<2000x256xf32> to vector<2000x4x64xf32>
    %transpose3A = tpu.transpose %reshape3A, [1, 0, 2] : vector<2000x4x64xf32> -> vector<4x2000x64xf32>
    %get3A_88 = arith.constant 0 : index
    %get3A_89 = arith.constant 0 : index
    %get3A_90 = vector.load %arg6[%get3A_88, %get3A_89] : memref<64x128xf32, #tpu.memory_space<vmem>>, vector<64x128xf32>
    %dot_general3A_91 = arith.constant dense<0.000000e+00> : vector<4x2000x128xf32>
    %dot_general3A_92 = tpu.matmul %transpose3A, %get3A_90, %dot_general3A_91 {dimension_numbers = #tpu.dot_dimension_numbers<[2], [0], [0, 1], [1], [0, 0, 0, 1, 1, 1], [], []>, transpose_lhs_hint = false} : vector<4x2000x64xf32>, vector<64x128xf32>, vector<4x2000x128xf32> -> vector<4x2000x128xf32>
    %get3A_93 = arith.constant 0 : index
    %get3A_94 = vector.load %arg7[%get3A_93] : memref<128xf32, #tpu.memory_space<vmem>>, vector<128xf32>
    %broadcast_in_dim3A_95 = vector.shape_cast %get3A_94 : vector<128xf32> to vector<1x1x128xf32>
    %add3A_96 = vector.broadcast %broadcast_in_dim3A_95 : vector<1x1x128xf32> to vector<4x2000x128xf32>
    %add3A_97 = arith.addf %dot_general3A_92, %add3A_96 : vector<4x2000x128xf32>
    %max3A = arith.constant 0.000000e+00 : f32
    %max3A_98 = vector.broadcast %max3A : f32 to vector<4x2000x128xf32>
    %max3A_99 = arith.maximumf %add3A_97, %max3A_98 : vector<4x2000x128xf32>
    %get3A_100 = arith.constant 0 : index
    %get3A_101 = arith.constant 0 : index
    %get3A_102 = vector.load %arg8[%get3A_100, %get3A_101] : memref<128x64xf32, #tpu.memory_space<vmem>>, vector<128x64xf32>
    %dot_general3A_103 = arith.constant dense<0.000000e+00> : vector<4x2000x64xf32>
    %dot_general3A_104 = tpu.matmul %max3A_99, %get3A_102, %dot_general3A_103 {dimension_numbers = #tpu.dot_dimension_numbers<[2], [0], [0, 1], [1], [0, 0, 0, 1, 1, 1], [], []>, transpose_lhs_hint = false} : vector<4x2000x128xf32>, vector<128x64xf32>, vector<4x2000x64xf32> -> vector<4x2000x64xf32>
    %get3A_105 = arith.constant 0 : index
    %get3A_106 = vector.load %arg9[%get3A_105] : memref<64xf32, #tpu.memory_space<vmem>>, vector<64xf32>
    %broadcast_in_dim3A_107 = vector.shape_cast %get3A_106 : vector<64xf32> to vector<1x1x64xf32>
    %add3A_108 = vector.broadcast %broadcast_in_dim3A_107 : vector<1x1x64xf32> to vector<4x2000x64xf32>
    %add3A_109 = arith.addf %dot_general3A_104, %add3A_108 : vector<4x2000x64xf32>
    %get3A_110 = arith.constant 0 : index
    %get3A_111 = vector.load %arg10[%get3A_110] : memref<64xf32, #tpu.memory_space<vmem>>, vector<64xf32>
    %broadcast_in_dim3A_112 = vector.shape_cast %get3A_111 : vector<64xf32> to vector<1x1x64xf32>
    %add3A_113 = vector.broadcast %broadcast_in_dim3A_112 : vector<1x1x64xf32> to vector<4x2000x64xf32>
    %add3A_114 = arith.addf %add3A_109, %add3A_113 : vector<4x2000x64xf32>
    %broadcast_in_dim3A_115 = vector.shape_cast %add3A_114 : vector<4x2000x64xf32> to vector<1x4x2000x64xf32>
    %swap3A = arith.constant 0 : index
    %swap3A_116 = arith.constant 0 : index
    %swap3A_117 = arith.constant 0 : index
    %swap3A_118 = arith.constant 0 : index
    %swap3A_119 = vector.load %arg11[%swap3A, %swap3A_116, %swap3A_117, %swap3A_118] : memref<1x4x2000x64xf32, #tpu.memory_space<vmem>>, vector<1x4x2000x64xf32>
    tpu.vector_store %arg11[%swap3A, %swap3A_116, %swap3A_117, %swap3A_118], %broadcast_in_dim3A_115 {strides = array<i32>} : memref<1x4x2000x64xf32, #tpu.memory_space<vmem>>, vector<1x4x2000x64xf32>,
    return
  }
  func.func @transform_0(%arg0: i32) -> (i32, i32, i32) {
    %c0_i32 = arith.constant 0 : i32
    %c0_i32_0 = arith.constant 0 : i32
    %c0_i32_1 = arith.constant 0 : i32
    return %c0_i32, %arg0, %c0_i32_0 : i32, i32, i32
  }
  func.func @transform_1(%arg0: i32) -> (i32, i32, i32) {
    %c0_i32 = arith.constant 0 : i32
    %c0_i32_0 = arith.constant 0 : i32
    %c0_i32_1 = arith.constant 0 : i32
    return %c0_i32, %arg0, %c0_i32_0 : i32, i32, i32
  }
  func.func @transform_2(%arg0: i32) -> (i32, i32) {
    %c0_i32 = arith.constant 0 : i32
    %c0_i32_0 = arith.constant 0 : i32
    return %arg0, %c0_i32 : i32, i32
  }
  func.func @transform_3(%arg0: i32) -> (i32, i32, i32) {
    %c0_i32 = arith.constant 0 : i32
    %c0_i32_0 = arith.constant 0 : i32
    %c0_i32_1 = arith.constant 0 : i32
    return %c0_i32, %arg0, %c0_i32_0 : i32, i32, i32
  }
  func.func @transform_4(%arg0: i32) -> (i32, i32, i32) {
    %c1_i32 = arith.constant 1 : i32
    %c0_i32 = arith.constant 0 : i32
    %c0_i32_0 = arith.constant 0 : i32
    return %c1_i32, %arg0, %c0_i32 : i32, i32, i32
  }
  func.func @transform_5(%arg0: i32) -> (i32, i32) {
    %c0_i32 = arith.constant 0 : i32
    %c0_i32_0 = arith.constant 0 : i32
    %c0_i32_1 = arith.constant 0 : i32
    return %c0_i32, %c0_i32_0 : i32, i32
  }
  func.func @transform_6(%arg0: i32) -> i32 {
    %c0_i32 = arith.constant 0 : i32
    %c0_i32_0 = arith.constant 0 : i32
    return %c0_i32 : i32
  }
  func.func @transform_7(%arg0: i32) -> (i32, i32) {
    %c0_i32 = arith.constant 0 : i32
    %c0_i32_0 = arith.constant 0 : i32
    %c0_i32_1 = arith.constant 0 : i32
    return %c0_i32, %c0_i32_0 : i32, i32
  }
  func.func @transform_8(%arg0: i32) -> i32 {
    %c0_i32 = arith.constant 0 : i32
    %c0_i32_0 = arith.constant 0 : i32
    return %c0_i32 : i32
  }
  func.func @transform_9(%arg0: i32) -> i32 {
    %c0_i32 = arith.constant 0 : i32
    %c0_i32_0 = arith.constant 0 : i32
    return %c0_i32 : i32
  }
  func.func @transform_10(%arg0: i32) -> (i32, i32, i32, i32) {
    %c0_i32 = arith.constant 0 : i32
    %c0_i32_0 = arith.constant 0 : i32
    %c0_i32_1 = arith.constant 0 : i32
    %c0_i32_2 = arith.constant 0 : i32
    return %c0_i32, %c0_i32_0, %arg0, %c0_i32_1 : i32, i32, i32, i32
  }
}

</mosaic_0001>

<sc_bundles>
// kernel: kernel.5.cloned.1.call-start
scs
__scs_entry_jumppad:
0x0: {  	(pc) =	sbr.rel $0x88, $3  }
0x1: {  	(tag) =	ssettag $0x0;
	lr =	simm.s32 $0x1  }
0x2: {  	[smem:$0x3F98] =	sst lr;
	_ =	strace $0xD0000000  }
0x3: {  	_ = 	snop  }
0x4: {  	_ = 	snop  }
0x5: {  	_ = 	snop  }
0x6: {  	_ = 	snop  }
0x7: {  	_ = 	snop  }
__scs_overlays_trampoline_lowered:
0x8: {  	[smem:$0x3FA7] =	sst s0  }
0x9: {  	[smem:$0x3FA8] =	sst s1  }
0xa: {  	[smem:$0x3FA9] =	sst s2  }
0xb: {  	[smem:$0x3FAA] =	sst s3  }
0xc: {  	[smem:$0x3FAB] =	sst s4  }
0xd: {  	[smem:$0x3FAC] =	sst s5  }
0xe: {  	[smem:$0x3FAD] =	sst s6  }
0xf: {  	[smem:$0x3FAE] =	sst s7  }
0x10: {  	[smem:$0x3FAF] =	sst s8  }
0x11: {  	[smem:$0x3FB0] =	sst s9;
	s0 =	simm.s32 @!p0 $0x0  }
0x12: {  	s1 =	sld [smem:$0x3F96];
	s0 =	simm.s32 @p0 $0x1  }
0x13: {  	[smem:$0x3FB1] =	sst s0;
	s0 =	simm.s32 @!p1 $0x0  }
0x14: {  	s2 =	sld [smem:$0x3F95];
	s0 =	simm.s32 @p1 $0x1  }
0x15: {  	[smem:$0x3FB2] =	sst s0;
	s0 =	simm.s32 @!p2 $0x0  }
0x16: {  	s3 =	sld [smem:$0x3FDB];
	s0 =	simm.s32 @p2 $0x1  }
0x17: {  	s4 =	simm.s32 $0x1BF5;
	[smem:$0x3FB4] =	sst s0  }
0x18: {  	s0 =	sld [smem:$0x3F97];
	_ =	swait.ge [sflag:s4], $0x0  }
0x19: {  	s7 =	sld [smem:$0x3F98]  }
0x1a: {  	s8 =	sadd.s32 $0xFFFFE003, lr  }
0x1b: {  	s9 =	sadd.s32 $0xFFFFFEF7, lr;
	s5 =	simm.s32 $0xFFFFFFFF;
	p2 =	slt.u32 s8, $0xFFFFF086  }
0x1c: {  	p1 =	slt.u32 s9, $0xF7A;
	s5 =	simm.s32 @!p2 $0x0  }
0x1d: {  	s5 =	simm.s32 @p1 $0x1;
	p0 =	seq.s32 s7, s2  }
0x1e: {  	s7 =	smul.u32 @!p0 $0xF7A, s2;
	p2 =	seq.s32 @!p0 s5, $0x0  }
0x1f: {  	s9 =	smul.u32 $0xF7A, s1;
	s8 =	simm.s32 @!p0 $0x1BF5;
	p2 =	por !p2, p0  }
0x20: {  	[sflag:s8] =	ssyncset.s32 @!p0 $0xFFFFF086;
	s6 =	sadd.s32 @!p0 s3, s7;
	s7 =	simm.s32 @!p0 $0x108  }
0x21: {  	s3 =	sadd.s32 s3, s9;
	s6 =	sadd.s32 @!p0 $0x88, s6;
	s7 =	simm.s32 @p2 $0x1082  }
0x22: {  	[simem:s7], [sflag:s8] =	dma.local @!p0 [hbm:s6], $0xF7A  }
0x23: {  	s9 =	sor.u32 $0xD0000000, s2;
	s6 =	simm.s32 $0x108;
	_ =	swait.ge @!p0 [sflag:s8], $0x0  }
0x24: {  	s3 =	sadd.s32 $0x88, s3;
	s6 =	simm.s32 @!p1 $0x1082;
	[sflag:s4] =	ssyncset.s32 $0xFFFFF086  }
0x25: {  	[simem:s6], [sflag:s4] =	dma.local [hbm:s3], $0xF7A  }
0x26: {  	[smem:$0x3F98] =	sst s1;
	(tag) =	ssettag s2;
	_ =	strace s9  }
0x27: {  	s1 =	sld [smem:$0x3FA8]  }
0x28: {  	s2 =	sld [smem:$0x3FA9]  }
0x29: {  	s4 =	sld [smem:$0x3FAB]  }
0x2a: {  	p0 =	seq.s32 s5, $0x0;
	s5 =	sld [smem:$0x3FAC]  }
0x2b: {  	s6 =	sld [smem:$0x3FAD]  }
0x2c: {  	s7 =	sld [smem:$0x3FAE]  }
0x2d: {  	s3 =	simm.s32 $0x108;
	s8 =	sld [smem:$0x3FAF]  }
0x2e: {  	s3 =	simm.s32 @!p0 $0x1082;
	s9 =	sld [smem:$0x3FB0]  }
0x2f: {  	lr =	sadd.s32 s0, s3;
	s0 =	sld [smem:$0x3FA7]  }
0x30: {  	s3 =	sld [smem:$0x3FAA]  }
0x31: {  	[smem:$0x3FB3] =	sst s10  }
0x32: {  	s10 =	sld [smem:$0x3FB1];
	_ =	sdelay $0x3  }
0x33: {  	p0 =	seq.s32 s10, $0x1;
	s10 =	sld [smem:$0x3FB3];
	_ =	sdelay $0x3  }
0x34: {  	[smem:$0x3FB3] =	sst s10  }
0x35: {  	s10 =	sld [smem:$0x3FB2];
	_ =	sdelay $0x3  }
0x36: {  	p1 =	seq.s32 s10, $0x1;
	s10 =	sld [smem:$0x3FB3];
	_ =	sdelay $0x3  }
0x37: {  	[smem:$0x3FB3] =	sst s10  }
0x38: {  	s10 =	sld [smem:$0x3FB4]  }
0x39: {  	_ = 	snop;
	(pc) =	sbr.ind lr, $3  }
0x3a: {  	_ = 	snop  }
0x3b: {  	_ = 	snop  }
0x3c: {  	p2 =	seq.s32 s10, $0x1;
	s10 =	sld [smem:$0x3FB3]  }
0x3d: {  	_ =	shalt  }
0x3e: {  	_ =	shalt  }
0x3f: {  	_ =	shalt  }
0x40: {  	_ =	shalt  }
0x41: {  	_ =	shalt  }
0x42: {  	_ =	shalt  }
0x43: {  	_ =	shalt  }
0x44: {  	_ =	shalt  }
0x45: {  	_ =	shalt  }
0x46: {  	_ =	shalt  }
0x47: {  	_ =	shalt  }
0x48: {  	_ =	shalt  }
0x49: {  	_ =	shalt  }
0x4a: {  	_ =	shalt  }
0x4b: {  	_ =	shalt  }
0x4c: {  	_ =	shalt  }
0x4d: {  	_ =	shalt  }
0x4e: {  	_ =	shalt  }
0x4f: {  	_ =	shalt  }
0x50: {  	_ =	shalt  }
0x51: {  	_ =	shalt  }
0x52: {  	_ =	shalt  }
0x53: {  	_ =	shalt  }
0x54: {  	_ =	shalt  }
0x55: {  	_ =	shalt  }
0x56: {  	_ =	shalt  }
0x57: {  	_ =	shalt  }
0x58: {  	_ =	shalt  }
0x59: {  	_ =	shalt  }
0x5a: {  	_ =	shalt  }
0x5b: {  	_ =	shalt  }
0x5c: {  	_ =	shalt  }
0x5d: {  	_ =	shalt  }
0x5e: {  	_ =	shalt  }
0x5f: {  	_ =	shalt  }
0x60: {  	_ =	shalt  }
0x61: {  	_ =	shalt  }
0x62: {  	_ =	shalt  }
0x63: {  	_ =	shalt  }
0x64: {  	_ =	shalt  }
0x65: {  	_ =	shalt  }
0x66: {  	_ =	shalt  }
0x67: {  	_ =	shalt  }
0x68: {  	_ =	shalt  }
0x69: {  	_ =	shalt  }
0x6a: {  	_ =	shalt  }
0x6b: {  	_ =	shalt  }
0x6c: {  	_ =	shalt  }
0x6d: {  	_ =	shalt  }
0x6e: {  	_ =	shalt  }
0x6f: {  	_ =	shalt  }
0x70: {  	_ =	shalt  }
0x71: {  	_ =	shalt  }
0x72: {  	_ =	shalt  }
0x73: {  	_ =	shalt  }
0x74: {  	_ =	shalt  }
0x75: {  	_ =	shalt  }
0x76: {  	_ =	shalt  }
0x77: {  	_ =	shalt  }
0x78: {  	_ =	shalt  }
0x79: {  	_ =	shalt  }
0x7a: {  	_ =	shalt  }
0x7b: {  	_ =	shalt  }
0x7c: {  	_ =	shalt  }
0x7d: {  	_ =	shalt  }
0x7e: {  	_ =	shalt  }
0x7f: {  	_ =	shalt  }
0x80: {  	_ =	shalt  }
0x81: {  	_ =	shalt  }
0x82: {  	_ =	shalt  }
0x83: {  	_ =	shalt  }
0x84: {  	_ =	shalt  }
0x85: {  	_ =	shalt  }
0x86: {  	_ =	shalt  }
0x87: {  	_ =	shalt  }
.Lfunc_end0:
.L_simem_size_0:
called_computation_lowered:
.L_overlay_start_0:
0x88: {  	s2 =	sld [smem:$0x3FD9]  }
0x89: {  	s3 =	sld [smem:$0x3FFE];
	_ =	sdelay $0x1  }
0x8a: {  	s1 =	srdreg.scid  }
0x8b: {  	s0 =	sand.u32 $0x1, s1  }
0x8c: {  	s17 =	sshll.u32 s0, $0xA;
	s2 =	sadd.s32 s3, s2  }
0x8d: {  	s2 =	sadd.s32 s2, s17  }
0x8e: {  	[smem:$0x3FBF] =	sst s2  }
0x8f: {  	_ = 	snop  }
0x90: {  	s2 =	sld [smem:$0x3FD0];
	(tm) =	ssettm $0x1  }
0x91: {  	s18 =	sld [smem:$0x3FFB];
	_ =	sdelay $0x3  }
0x92: {  	_ =	strace s18  }
0x93: {  	s3 =	sld [smem:$0x3FFC];
	_ =	sdelay $0x3  }
0x94: {  	_ =	strace s3  }
0x95: {  	s3 =	sld [smem:$0x3FFD];
	_ =	sdelay $0x3  }
0x96: {  	_ =	strace s3  }
0x97: {  	_ =	strace $0x8FFFFFFF  }
0x98: {  	s19 =	sld [smem:$0x3FDB];
	_ =	sdelay $0x1  }
0x99: {  	s4 =	simm.s32 $_scs_section_size  }
0x9a: {  	s5 =	simm.s32 $_size__tile_overlayer_lowered;
	s6 =	simm.s32 $_tile_overlayer_lowered  }
0x9b: {  	s22 =	simm.s32 $0x1BFF;
	s21 =	sshll.u32 s6, $0x1;
	s3 =	sadd.s32 s4, s19  }
0x9c: {  	s7 =	simm.s32 $0x0;
	s20 =	sshll.u32 s5, $0x1;
	s5 =	sadd.s32 s21, s3  }
0x9d: {  	[timem:s7], [sflag:s22] =	dma.local [hbm:s5], s20  }
0x9e: {  	_ =	swait.ge [sflag:s22], s20  }
0x9f: {  	s4 =	ssub.s32 $0x0, s20;
	[sflag:s22] =	ssyncset.done $0x0  }
0xa0: {  	[sflag:s22] =	ssyncadd.s32 s4;
	_ =	sdelay $0x1  }
0xa1: {  	s23 =	simm.s32 $0x1B8B  }
0xa2: {  	_ =	swait.ge [sflag:s23], $0x1  }
0xa3: {  	[sflag:s23] =	ssyncset.done $0x0  }
0xa4: {  	s25 =	simm.s32 $0x1B8E;
	s24 =	sld [smem:$0x3FFE];
	[sflag:s23] =	ssyncadd.s32 $0xFFFFFFFF  }
0xa5: {  	s26 =	simm.s32 $execute0_lowered;
	[smem:$0x3FD2] =	sst s25  }
0xa6: {  	s5 =	sshll.u32 s26, $0x1;
	_ =	strace $0x80000046;
	[dreg:$0x1] =	wrdreg $0xFFFFFFFF  }
0xa7: {  	s28 =	simm.s32 $_size_execute0_lowered;
	s3 =	sadd.s32 s3, s5;
	[dreg:$0x0] =	wrdreg $0x0  }
0xa8: {  	s5 =	sshll.u32 s28, $0x1;
	[dreg:$0x2] =	wrdreg s3  }
0xa9: {  	[dreg:$0x3] =	wrdreg s5  }
0xaa: {  	[dreg:$0x4] =	wrdreg $0xC0  }
0xab: {  	_ =	task [dreg:s7], $0x5FFFF  }
0xac: {  	[dreg:$0x1] =	wrdreg $0xFFFFFFFF  }
0xad: {  	[dreg:$0x0] =	wrdreg $0x60  }
0xae: {  	[dreg:$0x2] =	wrdreg s24  }
0xaf: {  	[dreg:$0x3] =	wrdreg s2  }
0xb0: {  	[dreg:$0x4] =	wrdreg $0xB6A80  }
0xb1: {  	[dreg:$0x5] =	wrdreg $0xA3200  }
0xb2: {  	[dreg:$0x6] =	wrdreg $0x9  }
0xb3: {  	_ =	task.clear_ibuf [dreg:s7], $0x7FFFF;
	_ =	strace $0x90000046  }
0xb4: {  	s29 =	simm.s32 $0x9;
	_ =	strace $0x80000048  }
0xb5: {  	_ =	swait.ge [sflag:s29], $0x1  }
0xb6: {  	[sflag:s29] =	ssyncadd.s32 $0xFFFFFFFF  }
0xb7: {  	_ =	strace $0x90000048  }
0xb8: {  	_ =	sfence  }
0xb9: {  	s30 =	sld [smem:$0x0];
	_ =	sdelay $0x2  }
0xba: {  	s31 =	sshll.u32 s1, $0xD;
	s1 =	sshrl.u32 s1, $0x2  }
0xbb: {  	s3 =	sand.u32 $0x4000, s31;
	s1 =	sadd.s32 s1, s30  }
0xbc: {  	s0 =	sor.u32 s3, s0;
	s1 =	sshll.u32 s1, $0x11  }
0xbd: {  	s0 =	sor.u32 s1, s0  }
0xbe: {  	s0 =	sadd.s32 $0x8F2B, s0  }
0xbf: {  	[sflag:s0] =	ssyncadd.remote.s32 $0x1  }
0xc0: {  	_ =	sfence.sel $0xFFFF  }
0xc1: {  	[dreg:$0x0] =	wrdreg $0xFFFFFFFF;
	(pc) =	sbr.abs _section_cstart, $3  }
0xc2: {  	[dreg:$0x1] =	wrdreg $0xFFFFFFFF  }
0xc3: {  	_ =	task.clear_ibuf [dreg:s7], $0x2FFFF;
	_ =	strace $0x9FFFFFFF  }
0xc4: {  	(tm) =	ssettm $0x7FFFFFFF  }
0xc5: {  	_ =	shalt  }
tec
execute0_lowered:
.L_overlay_start_1:
0x0: {  	(tag) =	ssettag $0x1  }
0x1: {  	s7 =	rddreg [dreg:$0x0];
	s17 =	stileid.u32  }
0x2: {  	s0 =	srdreg.scid;
	s5 =	smul.u32 $0x4E2, s17  }
0x3: {  	s1 =	simm.s32 $0x0;
	s2 =	sand.u32 $0x1, s0;
	s0 =	smul.u32 $0x1F40, s17  }
0x4: {  	[smem:$0x7FF] =	sst s1;
	s1 =	smul.u32 $0x1F400, s17  }
0x5: {  	s9 =	rddreg [dreg:$0x1];
	s14 =	smul.u32 $0x50000, s17  }
0x6: {  	s3 =	rddreg [dreg:$0x2];
	s19 =	smul.u32 $0x5000, s17  }
0x7: {  	s4 =	rddreg [dreg:$0x3];
	s13 =	sshll.u32 s17, $0x3;
	s6 =	smul.u32 $0x13880, s2  }
0x8: {  	p2 =	sgt.u32 s17, $0x9;
	p3 =	seq.s32 s17, $0xF;
	s10 =	smul.u32 $0x138800, s2  }
0x9: {  	_ =	strace $0x80000047;
	s18 =	ssub.s32 $0x2, s2;
	s15 =	sor.u32 $0x1, s13  }
0xa: {  	s21 =	sor.u32 $0x2, s13;
	s26 =	sor.u32 $0x3, s13;
	s20 =	smul.u32 $0xA000, s15  }
0xb: {  	s11 =	sadd.s32 s5, s7;
	s12 =	sshrl.u32 s18, $0x1;
	s15 =	smul.u32 $0xA00, s15  }
0xc: {  	s14 =	sshrl.u32 s14, $0x2;
	s22 =	smul.u32 $0xA000, s21;
	s16 =	sadd.s32 s0, s6  }
0xd: {  	s8 =	sadd.s32 s1, s10;
	s6 =	sadd.s32 $0xB200, s7;
	s14 =	sadd.s32 s14, s3  }
0xe: {  	s10 =	sshrl.u32 s10, $0x3;
	s1 =	sadd.s32 s1, s3;
	s0 =	sadd.s32 s0, s4  }
0xf: {  	s5 =	sshrl.u32 s16, $0x3;
	s8 =	sshrl.u32 s8, $0x3;
	s16 =	sadd.s32 $0x6200, s11  }
0x10: {  	s11 =	sadd.s32 $0x1200, s11;
	[dreg:$0x7] =	wrdreg s14;
	s15 =	sshrl.u32 s15, $0x2  }
0x11: {  	s24 =	sshrl.u32 s22, $0x2;
	s14 =	sor.u32 $0x6, s13;
	s31 =	sshrl.u32 @!p2 s1, $0x3  }
0x12: {  	s1 =	sshrl.u32 @!p2 s0, $0x3;
	s5 =	sadd.s32 s5, s7;
	[dreg:$0x5] =	wrdreg s16  }
0x13: {  	s7 =	sadd.s32 s8, s7;
	s8 =	ssub.s32 s18, s12;
	[dreg:$0x6] =	wrdreg s11  }
0x14: {  	s12 =	sshrl.u32 s19, $0x2;
	s11 =	sshrl.u32 s20, $0x2;
	s16 =	smul.u32 $0xA00, s21  }
0x15: {  	s23 =	sadd.s32 s15, s4;
	s18 =	smul.u32 $0xA00, s26;
	s19 =	sor.u32 $0x4, s13  }
0x16: {  	p0 =	sgt.u32 s14, $0x7C;
	s12 =	sadd.s32 s12, s4;
	s20 =	smul.u32 $0xA000, s19  }
0x17: {  	s11 =	sadd.s32 s11, s3;
	[dreg:$0xa] =	wrdreg s23;
	s22 =	smul.u32 $0xA00, s19  }
0x18: {  	s23 =	sor.u32 $0x5, s13;
	s19 =	sshllo.u32 s17, $0x3;
	s28 =	sadd.s32 $0x12A00, s7  }
0x19: {  	s29 =	sadd.s32 $0xDA00, s5;
	s30 =	smax.u32 s8, $0x1;
	s7 =	simm.s32 $0x5  }
0x1a: {  	s8 =	simm.s32 $0x4E20;
	s25 =	sshrl.u32 s16, $0x2;
	s16 =	smul.u32 $0xA000, s26  }
0x1b: {  	[dreg:$0x9] =	wrdreg s11;
	s11 =	sadd.s32 s24, s3;
	s24 =	smul.u32 $0xA000, s23  }
0x1c: {  	s13 =	simm.s32 $0x4;
	[dreg:$0x8] =	wrdreg s12;
	s26 =	smul.u32 $0xA00, s23  }
0x1d: {  	s21 =	sshrl.u32 s18, $0x2;
	s18 =	smul.u32 $0xA000, s14;
	p1 =	sgt.u32 s19, $0x7C  }
0x1e: {  	s23 =	smul.u32 $0xA00, s19;
	[dreg:$0xb] =	wrdreg s11;
	s15 =	sadd.s32 s25, s4  }
0x1f: {  	s12 =	simm.s32 $0x1;
	s25 =	sshrl.u32 s22, $0x2;
	[dreg:$0xc] =	wrdreg s15  }
0x20: {  	s11 =	sshrl.u32 s16, $0x2;
	s15 =	sadd.s32 s9, s10;
	s10 =	sadd.s32 s21, s4  }
0x21: {  	s9 =	sshrl.u32 s20, $0x2;
	s16 =	sshrl.u32 s26, $0x2;
	s21 =	smul.u32 $0xA000, s19  }
0x22: {  	s22 =	sshrl.u32 s18, $0x2;
	s11 =	sadd.s32 s11, s3;
	[dreg:$0xe] =	wrdreg s10  }
0x23: {  	s26 =	sshrl.u32 s23, $0x2;
	s9 =	sadd.s32 s9, s3;
	[dreg:$0xd] =	wrdreg s11  }
0x24: {  	s10 =	sshrl.u32 s24, $0x2;
	s20 =	sadd.s32 s16, s4;
	[dreg:$0xf] =	wrdreg s9  }
0x25: {  	s24 =	smul.u32 $0x140, s2;
	s11 =	sadd.s32 s25, s4;
	[dreg:$0x12] =	wrdreg s20  }
0x26: {  	s9 =	smul.u32 $0xA00, s14;
	s10 =	sadd.s32 s10, s3;
	[dreg:$0x10] =	wrdreg s11  }
0x27: {  	s25 =	sshrl.u32 s21, $0x2;
	s14 =	simm.s32 $0x0;
	[dreg:$0x11] =	wrdreg s10  }
.Ltmp0:
0x28: {  	s11 =	sadd.s32 s22, s3;
	s9 =	sshrl.u32 s9, $0x2;
	(pc) =	sbr.rel .LBB2_1-.Ltmp0, $4  }
0x29: {  	s10 =	simm.s32 $0x50;
	[dreg:$0x13] =	wrdreg s11;
	s9 =	sadd.s32 s9, s4  }
0x2a: {  	s11 =	simm.s32 $0xA0A0;
	[dreg:$0x14] =	wrdreg s9;
	s9 =	sadd.s32 s25, s3  }
0x2b: {  	s25 =	sadd.s32 s26, s4;
	s26 =	sshrl.u32 s24, $0x2;
	[dreg:$0x15] =	wrdreg s9  }
0x2c: {  	v0 =	vimm.f32 $0.0e+00;
	s0 =	sadd.s32 $0xA0, s26;
	s5 =	sadd.s32 $0x2710, s26;
	s9 =	simm.s32 $0x9E20  }
.LBB2_10:
0x2d: {  	s16 =	stileid.u32  }
0x2e: {  	s16 =	sshll.u32 @!p2 s16, $0x6  }
0x2f: {  	[bflag:$0x0] =	sbarrier.arrive $0xFFFF;
	s17 =	simm.s32 @!p2 $0x5;
	s16 =	sor.u32 @!p2 $0x1C05, s16  }
0x30: {  	[hbm:s28], [sflag:s16] =	dma.local @!p2 [spmem:s31], $0x3E80  }
0x31: {  	s14 =	sadd.s32 $0x1, s14;
	_ =	swait.ge @!p2 [sflag:s17], $0x3E80  }
0x32: {  	p4 =	sne.s32 s14, s30;
	[sflag:s17] =	ssyncset.done @!p2 $0x0  }
.Ltmp1:
0x33: {  	[sflag:s17] =	ssyncadd.s32 @!p2 $0xFFFFC180;
	(pc) =	sbr.rel @!p4 .LBB2_11-.Ltmp1, $4  }
0x34: {  	[hbm:s29], [sflag:s16] =	dma.local @!p2 [spmem:s1], $0x3E8  }
0x35: {  	_ =	swait.ge @!p2 [sflag:s17], $0x3E8  }
0x36: {  	[sflag:s17] =	ssyncset.done @!p2 $0x0  }
0x37: {  	[sflag:s17] =	ssyncadd.s32 @!p2 $0xFFFFFC18  }
.LBB2_1:
0x38: {  	s16 =	simm.s32 $0x0;
	s17 =	rddreg [dreg:$0x5]  }
0x39: {  	[tilespmem:s16], [sflag:$0x5] =	stream.linear.gather [hbm4b:s17+s16], $0x2710, $0x38;
	[tilespmem:$0x1EF28] =	vst v63  }
0x3a: {  	_ =	swait.ge [sflag:s7], $0x2710  }
0x3b: {  	[sflag:s7] =	ssyncset.done $0x0  }
0x3c: {  	s18 =	simm.s32 $0x2710;
	s24 =	rddreg [dreg:$0x6];
	[sflag:s7] =	ssyncadd.s32 $0xFFFFD8F0  }
0x3d: {  	[tilespmem:s18], [sflag:$0x5] =	stream.linear.gather [hbm4b:s24+s16], $0x2710, $0x38;
	[tilespmem:$0x1EF28] =	vst v63  }
0x3e: {  	_ =	swait.ge [sflag:s7], $0x2710  }
0x3f: {  	[sflag:s7] =	ssyncset.done $0x0  }
0x40: {  	s16 =	simm.s32 $0x4E60;
	[sflag:s7] =	ssyncadd.s32 $0xFFFFD8F0  }
0x41: {  	[tilespmem:s16+$0xFFFFFFD0] =	vst v0  }
0x42: {  	[tilespmem:s16+$0xFFFFFFE0] =	vst v0  }
0x43: {  	[tilespmem:s16+$0xFFFFFFF0] =	vst v0  }
0x44: {  	[tilespmem:s16+$0x0] =	vst v0  }
0x45: {  	[tilespmem:s16+$0x10] =	vst v0  }
0x46: {  	[tilespmem:s16+$0x20] =	vst v0  }
0x47: {  	[tilespmem:s16+$0x30] =	vst v0  }
0x48: {  	s17 =	simm.s32 $0x20;
	s18 =	simm.s32 $0x0;
	[tilespmem:s16+$0xFFFFFFC0] =	vst v0  }
.LBB2_2:
0x49: {  	p4 =	sne.s32 s17, $0x9E0;
	[tilespmem:s18+$0x9E20] =	vst.msk $0xff, v0;
	s16 =	sadd.s32 $0x80, s16  }
0x4a: {  	[tilespmem:s16+$0xFFFFFFD0] =	vst v0  }
0x4b: {  	[tilespmem:s16+$0xFFFFFFE0] =	vst v0  }
0x4c: {  	[tilespmem:s16+$0xFFFFFFF0] =	vst v0  }
.Ltmp2:
0x4d: {  	[tilespmem:s16+$0x0] =	vst v0;
	(pc) =	sbr.rel @p4 .LBB2_2-.Ltmp2, $4  }
0x4e: {  	[tilespmem:s16+$0x10] =	vst v0  }
0x4f: {  	[tilespmem:s16+$0x20] =	vst v0  }
0x50: {  	[tilespmem:s16+$0x30] =	vst v0  }
0x51: {  	s18 =	sshra.s32 s17, $0x2;
	s17 =	sadd.s32 $0x20, s17;
	[tilespmem:s16+$0xFFFFFFC0] =	vst v0  }
0x52: {  	[tilespmem:s18+$0x9E20] =	vst.msk $0xff, v0;
	s16 =	rddreg [dreg:$0x7]  }
0x53: {  	[spmem:s16] =	stream.linear.scatter [tilespmem:s8], [sflag:$0x5], $0x2800, $0x38;
	[tilespmem:$0x1EF28] =	vst v63  }
0x54: {  	_ =	swait.ge [sflag:s7], $0x2800  }
0x55: {  	[sflag:s7] =	ssyncset.done $0x0  }
0x56: {  	s23 =	rddreg [dreg:$0x8];
	[sflag:s7] =	ssyncadd.s32 $0xFFFFD800  }
0x57: {  	[spmem:s23] =	stream.linear.scatter [tilespmem:s9], [sflag:$0x5], $0x280, $0x38;
	[tilespmem:$0x1EF28] =	vst v63  }
0x58: {  	_ =	swait.ge [sflag:s7], $0x280  }
0x59: {  	[sflag:s7] =	ssyncset.done $0x0  }
0x5a: {  	s24 =	rddreg [dreg:$0x9];
	[sflag:s7] =	ssyncadd.s32 $0xFFFFFD80  }
0x5b: {  	[spmem:s24] =	stream.linear.scatter [tilespmem:s8], [sflag:$0x5], $0x2800, $0x38;
	[tilespmem:$0x1EF28] =	vst v63  }
0x5c: {  	_ =	swait.ge [sflag:s7], $0x2800  }
0x5d: {  	[sflag:s7] =	ssyncset.done $0x0  }
0x5e: {  	s17 =	rddreg [dreg:$0xa];
	[sflag:s7] =	ssyncadd.s32 $0xFFFFD800  }
0x5f: {  	[spmem:s17] =	stream.linear.scatter [tilespmem:s9], [sflag:$0x5], $0x280, $0x38;
	[tilespmem:$0x1EF28] =	vst v63  }
0x60: {  	_ =	swait.ge [sflag:s7], $0x280  }
0x61: {  	[sflag:s7] =	ssyncset.done $0x0  }
0x62: {  	s18 =	rddreg [dreg:$0xb];
	[sflag:s7] =	ssyncadd.s32 $0xFFFFFD80  }
0x63: {  	[spmem:s18] =	stream.linear.scatter [tilespmem:s8], [sflag:$0x5], $0x2800, $0x38;
	[tilespmem:$0x1EF28] =	vst v63  }
0x64: {  	_ =	swait.ge [sflag:s7], $0x2800  }
0x65: {  	[sflag:s7] =	ssyncset.done $0x0  }
0x66: {  	s19 =	rddreg [dreg:$0xc];
	[sflag:s7] =	ssyncadd.s32 $0xFFFFD800  }
0x67: {  	[spmem:s19] =	stream.linear.scatter [tilespmem:s9], [sflag:$0x5], $0x280, $0x38;
	[tilespmem:$0x1EF28] =	vst v63  }
0x68: {  	_ =	swait.ge [sflag:s7], $0x280  }
0x69: {  	[sflag:s7] =	ssyncset.done $0x0  }
0x6a: {  	s20 =	rddreg [dreg:$0xd];
	[sflag:s7] =	ssyncadd.s32 $0xFFFFFD80  }
0x6b: {  	[spmem:s20] =	stream.linear.scatter [tilespmem:s8], [sflag:$0x5], $0x2800, $0x38;
	[tilespmem:$0x1EF28] =	vst v63  }
0x6c: {  	_ =	swait.ge [sflag:s7], $0x2800  }
0x6d: {  	[sflag:s7] =	ssyncset.done $0x0  }
0x6e: {  	s21 =	rddreg [dreg:$0xe];
	[sflag:s7] =	ssyncadd.s32 $0xFFFFD800  }
0x6f: {  	[spmem:s21] =	stream.linear.scatter [tilespmem:s9], [sflag:$0x5], $0x280, $0x38;
	[tilespmem:$0x1EF28] =	vst v63  }
0x70: {  	_ =	swait.ge [sflag:s7], $0x280  }
0x71: {  	[sflag:s7] =	ssyncset.done $0x0  }
0x72: {  	s22 =	rddreg [dreg:$0xf];
	[sflag:s7] =	ssyncadd.s32 $0xFFFFFD80  }
0x73: {  	[spmem:s22] =	stream.linear.scatter [tilespmem:s8], [sflag:$0x5], $0x2800, $0x38;
	[tilespmem:$0x1EF28] =	vst v63  }
0x74: {  	_ =	swait.ge [sflag:s7], $0x2800  }
0x75: {  	[sflag:s7] =	ssyncset.done $0x0  }
0x76: {  	s23 =	rddreg [dreg:$0x10];
	[sflag:s7] =	ssyncadd.s32 $0xFFFFD800  }
0x77: {  	[spmem:s23] =	stream.linear.scatter [tilespmem:s9], [sflag:$0x5], $0x280, $0x38;
	[tilespmem:$0x1EF28] =	vst v63  }
0x78: {  	_ =	swait.ge [sflag:s7], $0x280  }
0x79: {  	[sflag:s7] =	ssyncset.done $0x0  }
0x7a: {  	s16 =	simm.s32 @!p3 $0x4E20;
	s17 =	rddreg [dreg:$0x11];
	[sflag:s7] =	ssyncadd.s32 $0xFFFFFD80  }
0x7b: {  	[spmem:s17] =	stream.linear.scatter @!p3 [tilespmem:s16], [sflag:$0x5], $0x2800, $0x38;
	[tilespmem:$0x1EF28] =	vst v63  }
0x7c: {  	s16 =	simm.s32 @!p3 $0x5  }
0x7d: {  	_ =	swait.ge @!p3 [sflag:s16], $0x2800  }
0x7e: {  	[sflag:s16] =	ssyncset.done @!p3 $0x0  }
0x7f: {  	s17 =	simm.s32 @!p3 $0x9E20;
	s18 =	rddreg [dreg:$0x12];
	[sflag:s16] =	ssyncadd.s32 @!p3 $0xFFFFD800  }
0x80: {  	[spmem:s18] =	stream.linear.scatter @!p3 [tilespmem:s17], [sflag:$0x5], $0x280, $0x38;
	[tilespmem:$0x1EF28] =	vst v63  }
0x81: {  	_ =	swait.ge @!p3 [sflag:s16], $0x280  }
0x82: {  	[sflag:s16] =	ssyncset.done @!p3 $0x0  }
0x83: {  	s17 =	rddreg [dreg:$0x13];
	[sflag:s16] =	ssyncadd.s32 @!p3 $0xFFFFFD80;
	s16 =	simm.s32 @!p0 $0x4E20  }
0x84: {  	[spmem:s17] =	stream.linear.scatter @!p0 [tilespmem:s16], [sflag:$0x5], $0x2800, $0x38;
	[tilespmem:$0x1EF28] =	vst v63  }
0x85: {  	s16 =	simm.s32 @!p0 $0x5  }
0x86: {  	_ =	swait.ge @!p0 [sflag:s16], $0x2800  }
0x87: {  	[sflag:s16] =	ssyncset.done @!p0 $0x0  }
0x88: {  	s17 =	simm.s32 @!p0 $0x9E20;
	s18 =	rddreg [dreg:$0x14];
	[sflag:s16] =	ssyncadd.s32 @!p0 $0xFFFFD800  }
0x89: {  	[spmem:s18] =	stream.linear.scatter @!p0 [tilespmem:s17], [sflag:$0x5], $0x280, $0x38;
	[tilespmem:$0x1EF28] =	vst v63  }
0x8a: {  	_ =	swait.ge @!p0 [sflag:s16], $0x280  }
0x8b: {  	[sflag:s16] =	ssyncset.done @!p0 $0x0  }
0x8c: {  	s17 =	rddreg [dreg:$0x15];
	[sflag:s16] =	ssyncadd.s32 @!p0 $0xFFFFFD80;
	s16 =	simm.s32 @!p1 $0x4E20  }
0x8d: {  	[spmem:s17] =	stream.linear.scatter @!p1 [tilespmem:s16], [sflag:$0x5], $0x2800, $0x38;
	[tilespmem:$0x1EF28] =	vst v63  }
0x8e: {  	s16 =	simm.s32 @!p1 $0x5  }
0x8f: {  	_ =	swait.ge @!p1 [sflag:s16], $0x2800  }
0x90: {  	[sflag:s16] =	ssyncset.done @!p1 $0x0  }
0x91: {  	s17 =	simm.s32 @!p1 $0x9E20;
	[sflag:s16] =	ssyncadd.s32 @!p1 $0xFFFFD800  }
0x92: {  	[spmem:s25] =	stream.linear.scatter @!p1 [tilespmem:s17], [sflag:$0x5], $0x280, $0x38;
	[tilespmem:$0x1EF28] =	vst v63  }
0x93: {  	_ =	swait.ge @!p1 [sflag:s16], $0x280  }
0x94: {  	[sflag:s16] =	ssyncset.done @!p1 $0x0  }
0x95: {  	[sflag:s16] =	ssyncadd.s32 @!p1 $0xFFFFFD80  }
0x96: {  	s16 =	simm.s32 $0x0;
	[bflag:$0x0] =	sbarrier.arrive $0xFFFF  }
0x97: {  	[tilespmem:s8], [sflag:$0x1] =	stream.indirect.gather [hbm4b:s15+s10], $0x80, s16, s10, $0xb8;
	[tilespmem:$0x1EF28] =	vst v63  }
0x98: {  	s24 =	simm.s32 $0x7620  }
0x99: {  	[tilespmem:s24], [sflag:$0x2] =	stream.indirect.gather [hbm4b:s15+s10], $0x80, s10, s10, $0xb8;
	[tilespmem:$0x1EF28] =	vst v63  }
.Ltmp3:
0x9a: {  	_ = 	snop;
	(pc) =	sbr.rel .LBB2_4-.Ltmp3, $4  }
0x9b: {  	_ = 	snop  }
0x9c: {  	[tilespmem:s9], [sflag:$0x3] =	stream.indirect.gather [hbm4b:s6+s10], $0x8, s26, s10, $0xb8;
	[tilespmem:$0x1EF28] =	vst v63  }
0x9d: {  	s18 =	simm.s32 $0x0;
	s17 =	simm.s32 $0x0  }
0x9e: {  	[tilespmem:s11], [sflag:$0x4] =	stream.indirect.gather [hbm4b:s6+s10], $0x8, s0, s10, $0xb8;
	[tilespmem:$0x1EF28] =	vst v63  }
.LBB2_9:
0x9f: {  	s19 =	sadd.s32 $0x3, s16  }
0xa0: {  	p4 =	sgt.u32 s19, $0x7C  }
0xa1: {  	s19 =	simm.s32 @!p4 $0x2  }
0xa2: {  	_ =	swait.ge @!p4 [sflag:s19], $0x2800  }
0xa3: {  	[sflag:s19] =	ssyncset.done @!p4 $0x0  }
0xa4: {  	[sflag:s19] =	ssyncadd.s32 @!p4 $0xFFFFD800;
	s19 =	sshra.s32 @!p4 s17, $0x2  }
0xa5: {  	s20 =	simm.s32 @!p4 $0x50;
	s21 =	simm.s32 @!p4 $0x7620;
	s19 =	sadd.s32 @!p4 $0x2800, s19  }
0xa6: {  	[spmem:s3] =	stream.indirect.scatter.add.f32 @!p4 [tilespmem:s21], [sflag:$0x5], $0x80, s19, s20, $0xb8;
	[tilespmem:$0x1EF28] =	vst v63  }
0xa7: {  	s19 =	simm.s32 @!p4 $0x5  }
0xa8: {  	p5 =	sgt.u32 @!p4 s18, $0x1D;
	_ =	swait.ge @!p4 [sflag:s19], $0x2800  }
0xa9: {  	p5 =	por p5, p4;
	[sflag:s19] =	ssyncset.done @!p4 $0x0  }
0xaa: {  	[sflag:s19] =	ssyncadd.s32 @!p4 $0xFFFFD800;
	s19 =	sshra.s32 @!p5 s17, $0x2;
	s17 =	sadd.s32 $0x500, s17  }
0xab: {  	p4 =	sne.s32 s17, $0xA000  }
.Ltmp4:
0xac: {  	_ = 	snop;
	(pc) =	sbr.rel @!p4 .LBB2_10-.Ltmp4, $4  }
0xad: {  	_ = 	snop  }
0xae: {  	s16 =	sadd.s32 $0x4, s16;
	s18 =	sadd.s32 $0x1, s18  }
0xaf: {  	s20 =	simm.s32 @!p5 $0x50;
	s21 =	simm.s32 @!p5 $0x7620;
	s19 =	sadd.s32 @!p5 $0x190, s19  }
0xb0: {  	[tilespmem:s21], [sflag:$0x2] =	stream.indirect.gather @!p5 [hbm4b:s15+s20], $0x80, s19, s20, $0xb8;
	[tilespmem:$0x1EF28] =	vst v63  }
.LBB2_4:
0xb1: {  	_ =	swait.ge [sflag:s12], $0x2800  }
0xb2: {  	s19 =	sshra.s32 s17, $0x2;
	[sflag:s12] =	ssyncset.done $0x0  }
0xb3: {  	s23 =	sadd.s32 $0x2, s16;
	s20 =	sadd.s32 $0x2710, s19;
	[sflag:s12] =	ssyncadd.s32 $0xFFFFD800  }
0xb4: {  	[spmem:s3] =	stream.indirect.scatter.add.f32 [tilespmem:s8], [sflag:$0x5], $0x80, s20, s10, $0xb8;
	[tilespmem:$0x1EF28] =	vst v63  }
0xb5: {  	p4 =	sgt.u32 s23, $0x7C;
	_ =	swait.ge [sflag:s7], $0x2800  }
0xb6: {  	s21 =	simm.s32 @!p4 $0x50;
	s20 =	sshra.s32 @!p4 s17, $0x2;
	[sflag:s7] =	ssyncset.done $0x0  }
0xb7: {  	s22 =	simm.s32 @!p4 $0x4E20;
	s20 =	sadd.s32 @!p4 $0xA0, s20;
	[sflag:s7] =	ssyncadd.s32 $0xFFFFD800  }
0xb8: {  	[tilespmem:s22], [sflag:$0x1] =	stream.indirect.gather @!p4 [hbm4b:s15+s21], $0x80, s20, s21, $0xb8;
	[tilespmem:$0x1EF28] =	vst v63  }
0xb9: {  	s20 =	sadd.s32 s16, s2  }
0xba: {  	p5 =	sgt.u32 s20, $0x7C  }
0xbb: {  	s21 =	simm.s32 @!p5 $0x3  }
0xbc: {  	_ =	swait.ge @!p5 [sflag:s21], $0x280  }
0xbd: {  	[sflag:s21] =	ssyncset.done @!p5 $0x0  }
0xbe: {  	[sflag:s21] =	ssyncadd.s32 @!p5 $0xFFFFFD80;
	s21 =	sshra.s32 @!p5 s17, $0x2  }
0xbf: {  	s22 =	simm.s32 @!p5 $0x50;
	s23 =	simm.s32 @!p5 $0x9E20;
	s21 =	sadd.s32 @!p5 s21, s5  }
0xc0: {  	[spmem:s4] =	stream.indirect.scatter.add.f32 @!p5 [tilespmem:s23], [sflag:$0x5], $0x8, s21, s22, $0xb8;
	[tilespmem:$0x1EF28] =	vst v63  }
0xc1: {  	p6 =	sgt.u32 @!p5 s20, $0x78;
	s21 =	simm.s32 @!p5 $0x5  }
0xc2: {  	p6 =	por p6, p5;
	_ =	swait.ge @!p5 [sflag:s21], $0x280  }
0xc3: {  	s24 =	sadd.s32 $0x1, s16;
	s22 =	sshra.s32 @!p6 s17, $0x2;
	[sflag:s21] =	ssyncset.done @!p5 $0x0  }
0xc4: {  	s23 =	simm.s32 @!p6 $0x9E20;
	[sflag:s21] =	ssyncadd.s32 @!p5 $0xFFFFFD80;
	s21 =	sadd.s32 @!p6 s22, s26  }
0xc5: {  	s22 =	simm.s32 @!p6 $0x50;
	p5 =	sgt.u32 s24, $0x7C;
	s21 =	sadd.s32 @!p6 $0x140, s21  }
0xc6: {  	[tilespmem:s23], [sflag:$0x3] =	stream.indirect.gather @!p6 [hbm4b:s6+s22], $0x8, s21, s22, $0xb8;
	[tilespmem:$0x1EF28] =	vst v63  }
0xc7: {  	s21 =	simm.s32 @!p5 $0x2  }
0xc8: {  	_ =	swait.ge @!p5 [sflag:s21], $0x2800  }
0xc9: {  	[sflag:s21] =	ssyncset.done @!p5 $0x0  }
0xca: {  	[sflag:s21] =	ssyncadd.s32 @!p5 $0xFFFFD800;
	s21 =	sshra.s32 @!p5 s17, $0x2  }
0xcb: {  	s24 =	simm.s32 @!p5 $0x7620;
	s23 =	simm.s32 @!p5 $0x50;
	s22 =	sadd.s32 @!p5 $0x2760, s21  }
0xcc: {  	[spmem:s3] =	stream.indirect.scatter.add.f32 @!p5 [tilespmem:s24], [sflag:$0x5], $0x80, s22, s23, $0xb8;
	[tilespmem:$0x1EF28] =	vst v63  }
0xcd: {  	s22 =	simm.s32 @!p5 $0x5  }
0xce: {  	_ =	swait.ge @!p5 [sflag:s22], $0x2800  }
0xcf: {  	[sflag:s22] =	ssyncset.done @!p5 $0x0  }
0xd0: {  	s20 =	sadd.s32 $0x2, s20;
	s21 =	sadd.s32 @!p5 $0xF0, s21;
	[sflag:s22] =	ssyncadd.s32 @!p5 $0xFFFFD800  }
0xd1: {  	[tilespmem:s24], [sflag:$0x2] =	stream.indirect.gather @!p5 [hbm4b:s15+s23], $0x80, s21, s23, $0xb8;
	[tilespmem:$0x1EF28] =	vst v63  }
0xd2: {  	p5 =	sgt.u32 s20, $0x7C  }
.Ltmp5:
0xd3: {  	_ = 	snop;
	(pc) =	sbr.rel @p5 .LBB2_6-.Ltmp5, $1  }
0xd4: {  	_ =	sdelay $0x3  }
0xd5: {  	_ =	swait.ge [sflag:s13], $0x280  }
0xd6: {  	s21 =	sadd.s32 s19, s5;
	[sflag:s13] =	ssyncset.done $0x0  }
0xd7: {  	s21 =	sadd.s32 $0xA0, s21;
	[sflag:s13] =	ssyncadd.s32 $0xFFFFFD80  }
0xd8: {  	[spmem:s4] =	stream.indirect.scatter.add.f32 [tilespmem:s11], [sflag:$0x5], $0x8, s21, s10, $0xb8;
	[tilespmem:$0x1EF28] =	vst v63  }
.Ltmp6:
0xd9: {  	p4 =	sgt.u32 s20, $0x78;
	(pc) =	sbr.rel .LBB2_7-.Ltmp6, $4  }
0xda: {  	s20 =	sshra.s32 @!p4 s17, $0x2;
	_ =	swait.ge [sflag:s7], $0x280  }
0xdb: {  	s22 =	simm.s32 @!p4 $0xA0A0;
	s20 =	sadd.s32 @!p4 s20, s26;
	[sflag:s7] =	ssyncset.done $0x0  }
0xdc: {  	s20 =	sadd.s32 @!p4 $0x1E0, s20;
	s21 =	simm.s32 @!p4 $0x50;
	[sflag:s7] =	ssyncadd.s32 $0xFFFFFD80  }
0xdd: {  	[tilespmem:s22], [sflag:$0x4] =	stream.indirect.gather @!p4 [hbm4b:s6+s21], $0x8, s20, s21, $0xb8;
	[tilespmem:$0x1EF28] =	vst v63  }
.LBB2_6:
.Ltmp7:
0xde: {  	(pc) =	sbr.rel @p4 .LBB2_9-.Ltmp7, $1  }
0xdf: {  	_ =	sdelay $0x3  }
.LBB2_7:
0xe0: {  	_ =	swait.ge [sflag:s12], $0x2800  }
0xe1: {  	p4 =	seq.s32 s17, $0x9B00;
	[sflag:s12] =	ssyncset.done $0x0  }
.Ltmp8:
0xe2: {  	s20 =	sadd.s32 $0x27B0, s19;
	[sflag:s12] =	ssyncadd.s32 $0xFFFFD800;
	(pc) =	sbr.rel @p4 .LBB2_10-.Ltmp8, $4  }
0xe3: {  	[spmem:s3] =	stream.indirect.scatter.add.f32 [tilespmem:s8], [sflag:$0x5], $0x80, s20, s10, $0xb8;
	[tilespmem:$0x1EF28] =	vst v63  }
0xe4: {  	_ =	swait.ge [sflag:s7], $0x2800  }
0xe5: {  	[sflag:s7] =	ssyncset.done $0x0  }
0xe6: {  	[sflag:s7] =	ssyncadd.s32 $0xFFFFD800  }
.Ltmp9:
0xe7: {  	(pc) =	sbr.rel .LBB2_9-.Ltmp9, $3  }
0xe8: {  	_ =	sdelay $0x1  }
0xe9: {  	s19 =	sadd.s32 $0x140, s19  }
0xea: {  	[tilespmem:s8], [sflag:$0x1] =	stream.indirect.gather [hbm4b:s15+s10], $0x80, s19, s10, $0xb8;
	[tilespmem:$0x1EF28] =	vst v63  }
.LBB2_11:
0xeb: {  	_ =	sfence.sel $0x180000  }
0xec: {  	[bflag:$0x0] =	sbarrier.arrive $0xFFFF  }
0xed: {  	_ =	strace $0x90000047  }
0xee: {  	s0 =	stileid.u32;
	[bflag:$0x2] =	sbarrier.arrive $0xFFFF  }
0xef: {  	p0 =	sne.s32 s0, $0x0;
	s0 =	rddreg [dreg:$0x4]  }
0xf0: {  	s0 =	sadd.s32 @!p0 $0x100000, s0  }
0xf1: {  	[sflag:s0] =	ssyncadd.tile.s32 @!p0 $0x1;
	_ =	shalt  }
.Lfunc_end2:
_tile_overlayer_lowered:
.L_overlay_start_2:
0xf2: {  	(tag) =	ssettag $0x2  }
0xf3: {  	s0 =	rddreg [dreg:$0x0];
	s2 =	stileid.u32  }
0xf4: {  	s1 =	rddreg [dreg:$0x1];
	p0 =	sne.s32 s2, $0x0  }
0xf5: {  	s3 =	rddreg [dreg:$0x2];
	[bflag:$0x3] =	sbarrier.arrive $0xFFFF;
	s2 =	simm.s32 @!p0 $0x1C05  }
0xf6: {  	[timem:s3], [sflag:s2] =	dma.local @!p0 [hbm:s0], s1  }
0xf7: {  	s0 =	simm.s32 @!p0 $0x5  }
0xf8: {  	_ =	swait.ge @!p0 [sflag:s0], s1  }
0xf9: {  	s1 =	ssub.s32 @!p0 $0x0, s1;
	[sflag:s0] =	ssyncset.done @!p0 $0x0  }
0xfa: {  	[sflag:s0] =	ssyncadd.s32 @!p0 s1  }
0xfb: {  	[bflag:$0x3] =	sbarrier.arrive $0xFFFF  }
0xfc: {  	_ =	shalt  }

</sc_bundles>
